<compile_context>
chip_gen: v7x
topology: tpu7x:2x2x1
jax: 0.10.2.dev20260603
libtpu: 0.0.44.dev20260713+nightly
codegen_flags: <defaults>
</compile_context>

<pallas_src>
import jax
import jax.numpy as jnp
from jax import lax
from jax.experimental import pallas as pl
from jax.experimental.pallas import tpu as pltpu
from jax.experimental.pallas import tpu_sc as plsc

MIN_WINDOW_SIZE = 33
MAX_WINDOW_SIZE = 99

_N = 5000
_NPAD = 5120
_NC, _NS = 2, 16
_NW = _NC * _NS
_PER_W = _NPAD // _NW
_GROUPS = _PER_W // 16
_ROWW = _NPAD // 4
_NBUF = 2
_NP = 26 + 4 * _NBUF


def _half_kernel(boxes_ref, half_ref):
    wh = boxes_ref[:, 2:4]
    mx = jnp.max(wh, axis=1)
    mn = jnp.min(wh, axis=1)
    scale = jnp.sqrt(mx / mn)
    window = (MIN_WINDOW_SIZE * scale).astype(jnp.int32)
    window = jnp.clip(window, MIN_WINDOW_SIZE, MAX_WINDOW_SIZE)
    half_ref[0:1, :_N] = (window // 2).reshape(1, _N)
    half_ref[0:1, _N:] = jnp.zeros((1, _NPAD - _N), jnp.int32)


def _compute_half(boxes):
    return pl.pallas_call(
        _half_kernel,
        out_shape=jax.ShapeDtypeStruct((1, _NPAD), jnp.int32),
    )(boxes)


def _sc_band(half_hbm, out_hbm, half_v, buf, sem0, sem1):
    cid = lax.axis_index("c")
    sid = lax.axis_index("s")
    wid = sid * _NC + cid
    base = wid * _PER_W
    pltpu.sync_copy(half_hbm.at[0], half_v)

    def zbody(k, _):
        for slot in range(_NBUF):
            for r in range(16):
                buf[slot, r, pl.ds(k * 16, 16)] = jnp.zeros((16,), jnp.int32)
        return 0
    lax.fori_loop(0, _ROWW // 16, zbody, 0)

    lane = lax.iota(jnp.int32, 16)
    sems = (sem0, sem1)
    handles = [None] * _GROUPS

    for g in range(_GROUPS):
        slot = g % _NBUF
        if g >= _NBUF:
            handles[g - _NBUF].wait()

        hv = half_v[pl.ds(base + g * 16, 16)]
        rows = base + g * 16 + lane
        s0 = jnp.maximum(((rows - 49) >> 2) - 4 * _NBUF, 0)
        slot_v = jnp.full((16,), slot, jnp.int32)

        def pbody(p, _, s0=s0, rows=rows, hv=hv, slot_v=slot_v):
            wp = jnp.minimum(s0 + p, _ROWW - 1)
            b = wp << 2
            acc = jnp.zeros((16,), jnp.int32)
            for m in range(4):
                inb = jnp.abs(b + m - rows) <= hv
                acc = acc + jnp.where(inb, jnp.int32(1 << (8 * m)),
                                      jnp.int32(0))
            plsc.store_scatter(buf, [slot_v, lane, wp], acc)
            return 0
        lax.fori_loop(0, _NP, pbody, 0)

        gidx = wid * _GROUPS + g
        cp = pltpu.make_async_copy(
            buf.at[slot], out_hbm.at[pl.ds(gidx * 16, 16)], sems[slot])
        cp.start()
        handles[g] = cp

    for g in range(_GROUPS - _NBUF, _GROUPS):
        handles[g].wait()


@jax.jit
def kernel(boxes):
    half = _compute_half(boxes)
    mesh = plsc.VectorSubcoreMesh(core_axis_name="c", subcore_axis_name="s")
    sc = pl.kernel(
        _sc_band,
        out_type=jax.ShapeDtypeStruct((_NPAD, _ROWW), jnp.int32),
        mesh=mesh,
        compiler_params=pltpu.CompilerParams(
            needs_layout_passes=False, use_tc_tiling_on_sc=False),
        scratch_types=[
            pltpu.VMEM((_NPAD,), jnp.int32),
            pltpu.VMEM((_NBUF, 16, _ROWW), jnp.int32),
            pltpu.SemaphoreType.DMA,
            pltpu.SemaphoreType.DMA,
        ],
    )
    words = sc(half)
    mask_bytes = lax.bitcast_convert_type(words, jnp.uint8)
    mask_bytes = mask_bytes.reshape(_NPAD, _NPAD)[:_N, :_N]
    return mask_bytes.astype(jnp.bool_)

# --- scband reference (transcript-rebuilt; emitter-appended) ---
"""Pipeline reference for scband-local-attention-window-module-76948634075228 (READ-ONLY COPY).

The authoritative reference and input builder live on the scoring server;
editing this copy changes nothing except your own understanding.
"""

import jax, jax.numpy as jnp
import numpy as np

MIN_WINDOW_SIZE = 33
MAX_WINDOW_SIZE = 99


def setup_inputs(seed: int = 0) -> dict:
    key = jax.random.key(seed)
    boxes = jax.random.uniform(key, (5000, 4), dtype=jnp.float32)
    return {"boxes": boxes}


def reference(boxes):
    # Faithful vectorized translation of LocalAttentionWindowModule.forward
    N = boxes.shape[0]
    wh = boxes[:, 2:4]  # box_size = boxes[i][2:]
    mx = jnp.max(wh, axis=1)
    mn = jnp.min(wh, axis=1)
    scale_factor = (mx / mn) ** 0.5
    # int(min_window_size * scale_factor) -> truncation toward zero (values positive)
    window = (MIN_WINDOW_SIZE * scale_factor).astype(jnp.int32)
    # max(min_ws, min(max_ws, window))
    window = jnp.clip(window, MIN_WINDOW_SIZE, MAX_WINDOW_SIZE)
    half = window // 2
    i = jnp.arange(N, dtype=jnp.int32)[:, None]
    j = jnp.arange(N, dtype=jnp.int32)[None, :]
    start_col = jnp.maximum(i - half[:, None], 0)
    end_col = jnp.minimum(i + half[:, None] + 1, N)
    attn_mask = (j >= start_col) & (j < end_col)
    # fill_diagonal(attn_mask, 1)
    attn_mask = attn_mask | (i == j)
    return attn_mask

if __name__ == "__main__":
    import jax
    _d = setup_inputs()
    print(jax.jit(kernel)(*tuple(_d.values())))

</pallas_src>

<mosaic_0001>
#map = affine_map<(d0, d1) -> (0, 0)>
module attributes {stable_mosaic.version = 14 : i64} {
  func.func @_sc_band(%arg0: i32, %arg1: i32, %arg2: memref<1x5120xi32, #tpu.memory_space<hbm>>, %arg3: memref<5120x1280xi32, #tpu.memory_space<hbm>>, %arg4: memref<5120xi32, #tpu.memory_space<vmem>>, %arg5: memref<2x16x1280xi32, #tpu.memory_space<vmem>>, %arg6: memref<!tpu.dma_semaphore, #tpu.memory_space<semaphore_mem>>, %arg7: memref<!tpu.dma_semaphore, #tpu.memory_space<semaphore_mem>>) attributes {dimension_semantics = [#tpu.dimension_semantics<core_parallel>, #tpu.dimension_semantics<subcore_parallel>], iteration_bounds = array<i64: 2, 16>, scalar_prefetch = 0 : i64, scratch_operands = 4 : i64, tpu.core_type = #tpu.core_type<sc_vector_subcore>, window_params = [{transform_indices = #map}, {transform_indices = #map}]} {
    %mul3A = arith.constant 2 : i32
    %mul3A_0 = arith.muli %arg1, %mul3A : i32
    %add3A = arith.addi %mul3A_0, %arg0 : i32
    %mul3A_1 = arith.constant 160 : i32
    %mul3A_2 = arith.muli %add3A, %mul3A_1 : i32
    %run_scoped3A = arith.constant 0 : i32
    "tpu.region"() ({
      %run_scoped3A_612 = tpu.sem_alloc : memref<!tpu.dma_semaphore, #tpu.memory_space<semaphore_mem>>
      %dma_start3A_613 = arith.constant 0 : i32
      %dma_start3A_614 = tpu.memref_slice %arg2[%run_scoped3A, %dma_start3A_613] : memref<1x5120xi32, #tpu.memory_space<hbm>> -> memref<1x5120xi32, #tpu.memory_space<hbm>>
      %dma_start3A_615 = tpu.memref_squeeze %dma_start3A_614 : memref<1x5120xi32, #tpu.memory_space<hbm>> -> memref<5120xi32, #tpu.memory_space<hbm>>
      %dma_start3A_616 = arith.constant 0 : i32
      %dma_start3A_617 = tpu.memref_slice %arg2[%run_scoped3A, %dma_start3A_616] : memref<1x5120xi32, #tpu.memory_space<hbm>> -> memref<1x5120xi32, #tpu.memory_space<hbm>>
      %dma_start3A_618 = tpu.memref_squeeze %dma_start3A_617 : memref<1x5120xi32, #tpu.memory_space<hbm>> -> memref<5120xi32, #tpu.memory_space<hbm>>
      tpu.enqueue_dma source(%dma_start3A_618 : memref<5120xi32, #tpu.memory_space<hbm>>) target(%arg4 : memref<5120xi32, #tpu.memory_space<vmem>>) target_semaphore(%run_scoped3A_612 : memref<!tpu.dma_semaphore, #tpu.memory_space<semaphore_mem>>)
      %dma_wait3A_619 = arith.constant 0 : i32
      %dma_wait3A_620 = tpu.memref_slice %arg2[%run_scoped3A, %dma_wait3A_619] : memref<1x5120xi32, #tpu.memory_space<hbm>> -> memref<1x5120xi32, #tpu.memory_space<hbm>>
      %dma_wait3A_621 = tpu.memref_squeeze %dma_wait3A_620 : memref<1x5120xi32, #tpu.memory_space<hbm>> -> memref<5120xi32, #tpu.memory_space<hbm>>
      %dma_wait3A_622 = arith.constant 0 : i32
      %dma_wait3A_623 = tpu.memref_slice %arg2[%run_scoped3A, %dma_wait3A_622] : memref<1x5120xi32, #tpu.memory_space<hbm>> -> memref<1x5120xi32, #tpu.memory_space<hbm>>
      %dma_wait3A_624 = tpu.memref_squeeze %dma_wait3A_623 : memref<1x5120xi32, #tpu.memory_space<hbm>> -> memref<5120xi32, #tpu.memory_space<hbm>>
      tpu.wait_dma2 semaphore(%run_scoped3A_612 : memref<!tpu.dma_semaphore, #tpu.memory_space<semaphore_mem>>) src(%dma_wait3A_624 : memref<5120xi32, #tpu.memory_space<hbm>>) dst(%arg4 : memref<5120xi32, #tpu.memory_space<vmem>>)
      tpu.yield
    }) : () -> ()
    %scan3A = arith.constant 0 : i32
    %scan3A_3 = arith.constant 0 : i32
    %scan3A_4 = arith.constant 80 : i32
    %scan3A_5 = arith.addi %scan3A_3, %scan3A_4 : i32
    %scan3A_6 = arith.constant 1 : i32
    %scan3A_7 = scf.for %scan3A_612 = %scan3A_3 to %scan3A_5 step %scan3A_6 iter_args(%scan3A_613 = %scan3A) -> (i32)  : i32 {
      %broadcast_in_dim3A_614 = arith.constant 0 : i32
      %broadcast_in_dim3A_615 = vector.broadcast %broadcast_in_dim3A_614 : i32 to vector<16xi32>
      %mul3A_616 = arith.constant 16 : i32
      %mul3A_617 = arith.muli %scan3A_612, %mul3A_616 : i32
      %swap3A = arith.constant 0 : i32
      %swap3A_618 = arith.constant 0 : i32
      %swap3A_619 = arith.index_cast %swap3A : i32 to index
      %swap3A_620 = arith.index_cast %swap3A_618 : i32 to index
      %swap3A_621 = arith.index_cast %mul3A_617 : i32 to index
      %swap3A_622 = tpu.vector_load %arg5[%swap3A_619, %swap3A_620, %swap3A_621] {strides = array<i32>} : memref<2x16x1280xi32, #tpu.memory_space<vmem>>, vector<16xi32>,
      tpu.vector_store %arg5[%swap3A_619, %swap3A_620, %swap3A_621], %broadcast_in_dim3A_615 {strides = array<i32>} : memref<2x16x1280xi32, #tpu.memory_space<vmem>>, vector<16xi32>,
      %broadcast_in_dim3A_623 = arith.constant 0 : i32
      %broadcast_in_dim3A_624 = vector.broadcast %broadcast_in_dim3A_623 : i32 to vector<16xi32>
      %mul3A_625 = arith.constant 16 : i32
      %mul3A_626 = arith.muli %scan3A_612, %mul3A_625 : i32
      %swap3A_627 = arith.constant 0 : i32
      %swap3A_628 = arith.constant 1 : i32
      %swap3A_629 = arith.index_cast %swap3A_627 : i32 to index
      %swap3A_630 = arith.index_cast %swap3A_628 : i32 to index
      %swap3A_631 = arith.index_cast %mul3A_626 : i32 to index
      %swap3A_632 = tpu.vector_load %arg5[%swap3A_629, %swap3A_630, %swap3A_631] {strides = array<i32>} : memref<2x16x1280xi32, #tpu.memory_space<vmem>>, vector<16xi32>,
      tpu.vector_store %arg5[%swap3A_629, %swap3A_630, %swap3A_631], %broadcast_in_dim3A_624 {strides = array<i32>} : memref<2x16x1280xi32, #tpu.memory_space<vmem>>, vector<16xi32>,
      %broadcast_in_dim3A_633 = arith.constant 0 : i32
      %broadcast_in_dim3A_634 = vector.broadcast %broadcast_in_dim3A_633 : i32 to vector<16xi32>
      %mul3A_635 = arith.constant 16 : i32
      %mul3A_636 = arith.muli %scan3A_612, %mul3A_635 : i32
      %swap3A_637 = arith.constant 0 : i32
      %swap3A_638 = arith.constant 2 : i32
      %swap3A_639 = arith.index_cast %swap3A_637 : i32 to index
      %swap3A_640 = arith.index_cast %swap3A_638 : i32 to index
      %swap3A_641 = arith.index_cast %mul3A_636 : i32 to index
      %swap3A_642 = tpu.vector_load %arg5[%swap3A_639, %swap3A_640, %swap3A_641] {strides = array<i32>} : memref<2x16x1280xi32, #tpu.memory_space<vmem>>, vector<16xi32>,
      tpu.vector_store %arg5[%swap3A_639, %swap3A_640, %swap3A_641], %broadcast_in_dim3A_634 {strides = array<i32>} : memref<2x16x1280xi32, #tpu.memory_space<vmem>>, vector<16xi32>,
      %broadcast_in_dim3A_643 = arith.constant 0 : i32
      %broadcast_in_dim3A_644 = vector.broadcast %broadcast_in_dim3A_643 : i32 to vector<16xi32>
      %mul3A_645 = arith.constant 16 : i32
      %mul3A_646 = arith.muli %scan3A_612, %mul3A_645 : i32
      %swap3A_647 = arith.constant 0 : i32
      %swap3A_648 = arith.constant 3 : i32
      %swap3A_649 = arith.index_cast %swap3A_647 : i32 to index
      %swap3A_650 = arith.index_cast %swap3A_648 : i32 to index
      %swap3A_651 = arith.index_cast %mul3A_646 : i32 to index
      %swap3A_652 = tpu.vector_load %arg5[%swap3A_649, %swap3A_650, %swap3A_651] {strides = array<i32>} : memref<2x16x1280xi32, #tpu.memory_space<vmem>>, vector<16xi32>,
      tpu.vector_store %arg5[%swap3A_649, %swap3A_650, %swap3A_651], %broadcast_in_dim3A_644 {strides = array<i32>} : memref<2x16x1280xi32, #tpu.memory_space<vmem>>, vector<16xi32>,
      %broadcast_in_dim3A_653 = arith.constant 0 : i32
      %broadcast_in_dim3A_654 = vector.broadcast %broadcast_in_dim3A_653 : i32 to vector<16xi32>
      %mul3A_655 = arith.constant 16 : i32
      %mul3A_656 = arith.muli %scan3A_612, %mul3A_655 : i32
      %swap3A_657 = arith.constant 0 : i32
      %swap3A_658 = arith.constant 4 : i32
      %swap3A_659 = arith.index_cast %swap3A_657 : i32 to index
      %swap3A_660 = arith.index_cast %swap3A_658 : i32 to index
      %swap3A_661 = arith.index_cast %mul3A_656 : i32 to index
      %swap3A_662 = tpu.vector_load %arg5[%swap3A_659, %swap3A_660, %swap3A_661] {strides = array<i32>} : memref<2x16x1280xi32, #tpu.memory_space<vmem>>, vector<16xi32>,
      tpu.vector_store %arg5[%swap3A_659, %swap3A_660, %swap3A_661], %broadcast_in_dim3A_654 {strides = array<i32>} : memref<2x16x1280xi32, #tpu.memory_space<vmem>>, vector<16xi32>,
      %broadcast_in_dim3A_663 = arith.constant 0 : i32
      %broadcast_in_dim3A_664 = vector.broadcast %broadcast_in_dim3A_663 : i32 to vector<16xi32>
      %mul3A_665 = arith.constant 16 : i32
      %mul3A_666 = arith.muli %scan3A_612, %mul3A_665 : i32
      %swap3A_667 = arith.constant 0 : i32
      %swap3A_668 = arith.constant 5 : i32
      %swap3A_669 = arith.index_cast %swap3A_667 : i32 to index
      %swap3A_670 = arith.index_cast %swap3A_668 : i32 to index
      %swap3A_671 = arith.index_cast %mul3A_666 : i32 to index
      %swap3A_672 = tpu.vector_load %arg5[%swap3A_669, %swap3A_670, %swap3A_671] {strides = array<i32>} : memref<2x16x1280xi32, #tpu.memory_space<vmem>>, vector<16xi32>,
      tpu.vector_store %arg5[%swap3A_669, %swap3A_670, %swap3A_671], %broadcast_in_dim3A_664 {strides = array<i32>} : memref<2x16x1280xi32, #tpu.memory_space<vmem>>, vector<16xi32>,
      %broadcast_in_dim3A_673 = arith.constant 0 : i32
      %broadcast_in_dim3A_674 = vector.broadcast %broadcast_in_dim3A_673 : i32 to vector<16xi32>
      %mul3A_675 = arith.constant 16 : i32
      %mul3A_676 = arith.muli %scan3A_612, %mul3A_675 : i32
      %swap3A_677 = arith.constant 0 : i32
      %swap3A_678 = arith.constant 6 : i32
      %swap3A_679 = arith.index_cast %swap3A_677 : i32 to index
      %swap3A_680 = arith.index_cast %swap3A_678 : i32 to index
      %swap3A_681 = arith.index_cast %mul3A_676 : i32 to index
      %swap3A_682 = tpu.vector_load %arg5[%swap3A_679, %swap3A_680, %swap3A_681] {strides = array<i32>} : memref<2x16x1280xi32, #tpu.memory_space<vmem>>, vector<16xi32>,
      tpu.vector_store %arg5[%swap3A_679, %swap3A_680, %swap3A_681], %broadcast_in_dim3A_674 {strides = array<i32>} : memref<2x16x1280xi32, #tpu.memory_space<vmem>>, vector<16xi32>,
      %broadcast_in_dim3A_683 = arith.constant 0 : i32
      %broadcast_in_dim3A_684 = vector.broadcast %broadcast_in_dim3A_683 : i32 to vector<16xi32>
      %mul3A_685 = arith.constant 16 : i32
      %mul3A_686 = arith.muli %scan3A_612, %mul3A_685 : i32
      %swap3A_687 = arith.constant 0 : i32
      %swap3A_688 = arith.constant 7 : i32
      %swap3A_689 = arith.index_cast %swap3A_687 : i32 to index
      %swap3A_690 = arith.index_cast %swap3A_688 : i32 to index
      %swap3A_691 = arith.index_cast %mul3A_686 : i32 to index
      %swap3A_692 = tpu.vector_load %arg5[%swap3A_689, %swap3A_690, %swap3A_691] {strides = array<i32>} : memref<2x16x1280xi32, #tpu.memory_space<vmem>>, vector<16xi32>,
      tpu.vector_store %arg5[%swap3A_689, %swap3A_690, %swap3A_691], %broadcast_in_dim3A_684 {strides = array<i32>} : memref<2x16x1280xi32, #tpu.memory_space<vmem>>, vector<16xi32>,
      %broadcast_in_dim3A_693 = arith.constant 0 : i32
      %broadcast_in_dim3A_694 = vector.broadcast %broadcast_in_dim3A_693 : i32 to vector<16xi32>
      %mul3A_695 = arith.constant 16 : i32
      %mul3A_696 = arith.muli %scan3A_612, %mul3A_695 : i32
      %swap3A_697 = arith.constant 0 : i32
      %swap3A_698 = arith.constant 8 : i32
      %swap3A_699 = arith.index_cast %swap3A_697 : i32 to index
      %swap3A_700 = arith.index_cast %swap3A_698 : i32 to index
      %swap3A_701 = arith.index_cast %mul3A_696 : i32 to index
      %swap3A_702 = tpu.vector_load %arg5[%swap3A_699, %swap3A_700, %swap3A_701] {strides = array<i32>} : memref<2x16x1280xi32, #tpu.memory_space<vmem>>, vector<16xi32>,
      tpu.vector_store %arg5[%swap3A_699, %swap3A_700, %swap3A_701], %broadcast_in_dim3A_694 {strides = array<i32>} : memref<2x16x1280xi32, #tpu.memory_space<vmem>>, vector<16xi32>,
      %broadcast_in_dim3A_703 = arith.constant 0 : i32
      %broadcast_in_dim3A_704 = vector.broadcast %broadcast_in_dim3A_703 : i32 to vector<16xi32>
      %mul3A_705 = arith.constant 16 : i32
      %mul3A_706 = arith.muli %scan3A_612, %mul3A_705 : i32
      %swap3A_707 = arith.constant 0 : i32
      %swap3A_708 = arith.constant 9 : i32
      %swap3A_709 = arith.index_cast %swap3A_707 : i32 to index
      %swap3A_710 = arith.index_cast %swap3A_708 : i32 to index
      %swap3A_711 = arith.index_cast %mul3A_706 : i32 to index
      %swap3A_712 = tpu.vector_load %arg5[%swap3A_709, %swap3A_710, %swap3A_711] {strides = array<i32>} : memref<2x16x1280xi32, #tpu.memory_space<vmem>>, vector<16xi32>,
      tpu.vector_store %arg5[%swap3A_709, %swap3A_710, %swap3A_711], %broadcast_in_dim3A_704 {strides = array<i32>} : memref<2x16x1280xi32, #tpu.memory_space<vmem>>, vector<16xi32>,
      %broadcast_in_dim3A_713 = arith.constant 0 : i32
      %broadcast_in_dim3A_714 = vector.broadcast %broadcast_in_dim3A_713 : i32 to vector<16xi32>
      %mul3A_715 = arith.constant 16 : i32
      %mul3A_716 = arith.muli %scan3A_612, %mul3A_715 : i32
      %swap3A_717 = arith.constant 0 : i32
      %swap3A_718 = arith.constant 10 : i32
      %swap3A_719 = arith.index_cast %swap3A_717 : i32 to index
      %swap3A_720 = arith.index_cast %swap3A_718 : i32 to index
      %swap3A_721 = arith.index_cast %mul3A_716 : i32 to index
      %swap3A_722 = tpu.vector_load %arg5[%swap3A_719, %swap3A_720, %swap3A_721] {strides = array<i32>} : memref<2x16x1280xi32, #tpu.memory_space<vmem>>, vector<16xi32>,
      tpu.vector_store %arg5[%swap3A_719, %swap3A_720, %swap3A_721], %broadcast_in_dim3A_714 {strides = array<i32>} : memref<2x16x1280xi32, #tpu.memory_space<vmem>>, vector<16xi32>,
      %broadcast_in_dim3A_723 = arith.constant 0 : i32
      %broadcast_in_dim3A_724 = vector.broadcast %broadcast_in_dim3A_723 : i32 to vector<16xi32>
      %mul3A_725 = arith.constant 16 : i32
      %mul3A_726 = arith.muli %scan3A_612, %mul3A_725 : i32
      %swap3A_727 = arith.constant 0 : i32
      %swap3A_728 = arith.constant 11 : i32
      %swap3A_729 = arith.index_cast %swap3A_727 : i32 to index
      %swap3A_730 = arith.index_cast %swap3A_728 : i32 to index
      %swap3A_731 = arith.index_cast %mul3A_726 : i32 to index
      %swap3A_732 = tpu.vector_load %arg5[%swap3A_729, %swap3A_730, %swap3A_731] {strides = array<i32>} : memref<2x16x1280xi32, #tpu.memory_space<vmem>>, vector<16xi32>,
      tpu.vector_store %arg5[%swap3A_729, %swap3A_730, %swap3A_731], %broadcast_in_dim3A_724 {strides = array<i32>} : memref<2x16x1280xi32, #tpu.memory_space<vmem>>, vector<16xi32>,
      %broadcast_in_dim3A_733 = arith.constant 0 : i32
      %broadcast_in_dim3A_734 = vector.broadcast %broadcast_in_dim3A_733 : i32 to vector<16xi32>
      %mul3A_735 = arith.constant 16 : i32
      %mul3A_736 = arith.muli %scan3A_612, %mul3A_735 : i32
      %swap3A_737 = arith.constant 0 : i32
      %swap3A_738 = arith.constant 12 : i32
      %swap3A_739 = arith.index_cast %swap3A_737 : i32 to index
      %swap3A_740 = arith.index_cast %swap3A_738 : i32 to index
      %swap3A_741 = arith.index_cast %mul3A_736 : i32 to index
      %swap3A_742 = tpu.vector_load %arg5[%swap3A_739, %swap3A_740, %swap3A_741] {strides = array<i32>} : memref<2x16x1280xi32, #tpu.memory_space<vmem>>, vector<16xi32>,
      tpu.vector_store %arg5[%swap3A_739, %swap3A_740, %swap3A_741], %broadcast_in_dim3A_734 {strides = array<i32>} : memref<2x16x1280xi32, #tpu.memory_space<vmem>>, vector<16xi32>,
      %broadcast_in_dim3A_743 = arith.constant 0 : i32
      %broadcast_in_dim3A_744 = vector.broadcast %broadcast_in_dim3A_743 : i32 to vector<16xi32>
      %mul3A_745 = arith.constant 16 : i32
      %mul3A_746 = arith.muli %scan3A_612, %mul3A_745 : i32
      %swap3A_747 = arith.constant 0 : i32
      %swap3A_748 = arith.constant 13 : i32
      %swap3A_749 = arith.index_cast %swap3A_747 : i32 to index
      %swap3A_750 = arith.index_cast %swap3A_748 : i32 to index
      %swap3A_751 = arith.index_cast %mul3A_746 : i32 to index
      %swap3A_752 = tpu.vector_load %arg5[%swap3A_749, %swap3A_750, %swap3A_751] {strides = array<i32>} : memref<2x16x1280xi32, #tpu.memory_space<vmem>>, vector<16xi32>,
      tpu.vector_store %arg5[%swap3A_749, %swap3A_750, %swap3A_751], %broadcast_in_dim3A_744 {strides = array<i32>} : memref<2x16x1280xi32, #tpu.memory_space<vmem>>, vector<16xi32>,
      %broadcast_in_dim3A_753 = arith.constant 0 : i32
      %broadcast_in_dim3A_754 = vector.broadcast %broadcast_in_dim3A_753 : i32 to vector<16xi32>
      %mul3A_755 = arith.constant 16 : i32
      %mul3A_756 = arith.muli %scan3A_612, %mul3A_755 : i32
      %swap3A_757 = arith.constant 0 : i32
      %swap3A_758 = arith.constant 14 : i32
      %swap3A_759 = arith.index_cast %swap3A_757 : i32 to index
      %swap3A_760 = arith.index_cast %swap3A_758 : i32 to index
      %swap3A_761 = arith.index_cast %mul3A_756 : i32 to index
      %swap3A_762 = tpu.vector_load %arg5[%swap3A_759, %swap3A_760, %swap3A_761] {strides = array<i32>} : memref<2x16x1280xi32, #tpu.memory_space<vmem>>, vector<16xi32>,
      tpu.vector_store %arg5[%swap3A_759, %swap3A_760, %swap3A_761], %broadcast_in_dim3A_754 {strides = array<i32>} : memref<2x16x1280xi32, #tpu.memory_space<vmem>>, vector<16xi32>,
      %broadcast_in_dim3A_763 = arith.constant 0 : i32
      %broadcast_in_dim3A_764 = vector.broadcast %broadcast_in_dim3A_763 : i32 to vector<16xi32>
      %mul3A_765 = arith.constant 16 : i32
      %mul3A_766 = arith.muli %scan3A_612, %mul3A_765 : i32
      %swap3A_767 = arith.constant 0 : i32
      %swap3A_768 = arith.constant 15 : i32
      %swap3A_769 = arith.index_cast %swap3A_767 : i32 to index
      %swap3A_770 = arith.index_cast %swap3A_768 : i32 to index
      %swap3A_771 = arith.index_cast %mul3A_766 : i32 to index
      %swap3A_772 = tpu.vector_load %arg5[%swap3A_769, %swap3A_770, %swap3A_771] {strides = array<i32>} : memref<2x16x1280xi32, #tpu.memory_space<vmem>>, vector<16xi32>,
      tpu.vector_store %arg5[%swap3A_769, %swap3A_770, %swap3A_771], %broadcast_in_dim3A_764 {strides = array<i32>} : memref<2x16x1280xi32, #tpu.memory_space<vmem>>, vector<16xi32>,
      %broadcast_in_dim3A_773 = arith.constant 0 : i32
      %broadcast_in_dim3A_774 = vector.broadcast %broadcast_in_dim3A_773 : i32 to vector<16xi32>
      %mul3A_775 = arith.constant 16 : i32
      %mul3A_776 = arith.muli %scan3A_612, %mul3A_775 : i32
      %swap3A_777 = arith.constant 1 : i32
      %swap3A_778 = arith.constant 0 : i32
      %swap3A_779 = arith.index_cast %swap3A_777 : i32 to index
      %swap3A_780 = arith.index_cast %swap3A_778 : i32 to index
      %swap3A_781 = arith.index_cast %mul3A_776 : i32 to index
      %swap3A_782 = tpu.vector_load %arg5[%swap3A_779, %swap3A_780, %swap3A_781] {strides = array<i32>} : memref<2x16x1280xi32, #tpu.memory_space<vmem>>, vector<16xi32>,
      tpu.vector_store %arg5[%swap3A_779, %swap3A_780, %swap3A_781], %broadcast_in_dim3A_774 {strides = array<i32>} : memref<2x16x1280xi32, #tpu.memory_space<vmem>>, vector<16xi32>,
      %broadcast_in_dim3A_783 = arith.constant 0 : i32
      %broadcast_in_dim3A_784 = vector.broadcast %broadcast_in_dim3A_783 : i32 to vector<16xi32>
      %mul3A_785 = arith.constant 16 : i32
      %mul3A_786 = arith.muli %scan3A_612, %mul3A_785 : i32
      %swap3A_787 = arith.constant 1 : i32
      %swap3A_788 = arith.constant 1 : i32
      %swap3A_789 = arith.index_cast %swap3A_787 : i32 to index
      %swap3A_790 = arith.index_cast %swap3A_788 : i32 to index
      %swap3A_791 = arith.index_cast %mul3A_786 : i32 to index
      %swap3A_792 = tpu.vector_load %arg5[%swap3A_789, %swap3A_790, %swap3A_791] {strides = array<i32>} : memref<2x16x1280xi32, #tpu.memory_space<vmem>>, vector<16xi32>,
      tpu.vector_store %arg5[%swap3A_789, %swap3A_790, %swap3A_791], %broadcast_in_dim3A_784 {strides = array<i32>} : memref<2x16x1280xi32, #tpu.memory_space<vmem>>, vector<16xi32>,
      %broadcast_in_dim3A_793 = arith.constant 0 : i32
      %broadcast_in_dim3A_794 = vector.broadcast %broadcast_in_dim3A_793 : i32 to vector<16xi32>
      %mul3A_795 = arith.constant 16 : i32
      %mul3A_796 = arith.muli %scan3A_612, %mul3A_795 : i32
      %swap3A_797 = arith.constant 1 : i32
      %swap3A_798 = arith.constant 2 : i32
      %swap3A_799 = arith.index_cast %swap3A_797 : i32 to index
      %swap3A_800 = arith.index_cast %swap3A_798 : i32 to index
      %swap3A_801 = arith.index_cast %mul3A_796 : i32 to index
      %swap3A_802 = tpu.vector_load %arg5[%swap3A_799, %swap3A_800, %swap3A_801] {strides = array<i32>} : memref<2x16x1280xi32, #tpu.memory_space<vmem>>, vector<16xi32>,
      tpu.vector_store %arg5[%swap3A_799, %swap3A_800, %swap3A_801], %broadcast_in_dim3A_794 {strides = array<i32>} : memref<2x16x1280xi32, #tpu.memory_space<vmem>>, vector<16xi32>,
      %broadcast_in_dim3A_803 = arith.constant 0 : i32
      %broadcast_in_dim3A_804 = vector.broadcast %broadcast_in_dim3A_803 : i32 to vector<16xi32>
      %mul3A_805 = arith.constant 16 : i32
      %mul3A_806 = arith.muli %scan3A_612, %mul3A_805 : i32
      %swap3A_807 = arith.constant 1 : i32
      %swap3A_808 = arith.constant 3 : i32
      %swap3A_809 = arith.index_cast %swap3A_807 : i32 to index
      %swap3A_810 = arith.index_cast %swap3A_808 : i32 to index
      %swap3A_811 = arith.index_cast %mul3A_806 : i32 to index
      %swap3A_812 = tpu.vector_load %arg5[%swap3A_809, %swap3A_810, %swap3A_811] {strides = array<i32>} : memref<2x16x1280xi32, #tpu.memory_space<vmem>>, vector<16xi32>,
      tpu.vector_store %arg5[%swap3A_809, %swap3A_810, %swap3A_811], %broadcast_in_dim3A_804 {strides = array<i32>} : memref<2x16x1280xi32, #tpu.memory_space<vmem>>, vector<16xi32>,
      %broadcast_in_dim3A_813 = arith.constant 0 : i32
      %broadcast_in_dim3A_814 = vector.broadcast %broadcast_in_dim3A_813 : i32 to vector<16xi32>
      %mul3A_815 = arith.constant 16 : i32
      %mul3A_816 = arith.muli %scan3A_612, %mul3A_815 : i32
      %swap3A_817 = arith.constant 1 : i32
      %swap3A_818 = arith.constant 4 : i32
      %swap3A_819 = arith.index_cast %swap3A_817 : i32 to index
      %swap3A_820 = arith.index_cast %swap3A_818 : i32 to index
      %swap3A_821 = arith.index_cast %mul3A_816 : i32 to index
      %swap3A_822 = tpu.vector_load %arg5[%swap3A_819, %swap3A_820, %swap3A_821] {strides = array<i32>} : memref<2x16x1280xi32, #tpu.memory_space<vmem>>, vector<16xi32>,
      tpu.vector_store %arg5[%swap3A_819, %swap3A_820, %swap3A_821], %broadcast_in_dim3A_814 {strides = array<i32>} : memref<2x16x1280xi32, #tpu.memory_space<vmem>>, vector<16xi32>,
      %broadcast_in_dim3A_823 = arith.constant 0 : i32
      %broadcast_in_dim3A_824 = vector.broadcast %broadcast_in_dim3A_823 : i32 to vector<16xi32>
      %mul3A_825 = arith.constant 16 : i32
      %mul3A_826 = arith.muli %scan3A_612, %mul3A_825 : i32
      %swap3A_827 = arith.constant 1 : i32
      %swap3A_828 = arith.constant 5 : i32
      %swap3A_829 = arith.index_cast %swap3A_827 : i32 to index
      %swap3A_830 = arith.index_cast %swap3A_828 : i32 to index
      %swap3A_831 = arith.index_cast %mul3A_826 : i32 to index
      %swap3A_832 = tpu.vector_load %arg5[%swap3A_829, %swap3A_830, %swap3A_831] {strides = array<i32>} : memref<2x16x1280xi32, #tpu.memory_space<vmem>>, vector<16xi32>,
      tpu.vector_store %arg5[%swap3A_829, %swap3A_830, %swap3A_831], %broadcast_in_dim3A_824 {strides = array<i32>} : memref<2x16x1280xi32, #tpu.memory_space<vmem>>, vector<16xi32>,
      %broadcast_in_dim3A_833 = arith.constant 0 : i32
      %broadcast_in_dim3A_834 = vector.broadcast %broadcast_in_dim3A_833 : i32 to vector<16xi32>
      %mul3A_835 = arith.constant 16 : i32
      %mul3A_836 = arith.muli %scan3A_612, %mul3A_835 : i32
      %swap3A_837 = arith.constant 1 : i32
      %swap3A_838 = arith.constant 6 : i32
      %swap3A_839 = arith.index_cast %swap3A_837 : i32 to index
      %swap3A_840 = arith.index_cast %swap3A_838 : i32 to index
      %swap3A_841 = arith.index_cast %mul3A_836 : i32 to index
      %swap3A_842 = tpu.vector_load %arg5[%swap3A_839, %swap3A_840, %swap3A_841] {strides = array<i32>} : memref<2x16x1280xi32, #tpu.memory_space<vmem>>, vector<16xi32>,
      tpu.vector_store %arg5[%swap3A_839, %swap3A_840, %swap3A_841], %broadcast_in_dim3A_834 {strides = array<i32>} : memref<2x16x1280xi32, #tpu.memory_space<vmem>>, vector<16xi32>,
      %broadcast_in_dim3A_843 = arith.constant 0 : i32
      %broadcast_in_dim3A_844 = vector.broadcast %broadcast_in_dim3A_843 : i32 to vector<16xi32>
      %mul3A_845 = arith.constant 16 : i32
      %mul3A_846 = arith.muli %scan3A_612, %mul3A_845 : i32
      %swap3A_847 = arith.constant 1 : i32
      %swap3A_848 = arith.constant 7 : i32
      %swap3A_849 = arith.index_cast %swap3A_847 : i32 to index
      %swap3A_850 = arith.index_cast %swap3A_848 : i32 to index
      %swap3A_851 = arith.index_cast %mul3A_846 : i32 to index
      %swap3A_852 = tpu.vector_load %arg5[%swap3A_849, %swap3A_850, %swap3A_851] {strides = array<i32>} : memref<2x16x1280xi32, #tpu.memory_space<vmem>>, vector<16xi32>,
      tpu.vector_store %arg5[%swap3A_849, %swap3A_850, %swap3A_851], %broadcast_in_dim3A_844 {strides = array<i32>} : memref<2x16x1280xi32, #tpu.memory_space<vmem>>, vector<16xi32>,
      %broadcast_in_dim3A_853 = arith.constant 0 : i32
      %broadcast_in_dim3A_854 = vector.broadcast %broadcast_in_dim3A_853 : i32 to vector<16xi32>
      %mul3A_855 = arith.constant 16 : i32
      %mul3A_856 = arith.muli %scan3A_612, %mul3A_855 : i32
      %swap3A_857 = arith.constant 1 : i32
      %swap3A_858 = arith.constant 8 : i32
      %swap3A_859 = arith.index_cast %swap3A_857 : i32 to index
      %swap3A_860 = arith.index_cast %swap3A_858 : i32 to index
      %swap3A_861 = arith.index_cast %mul3A_856 : i32 to index
      %swap3A_862 = tpu.vector_load %arg5[%swap3A_859, %swap3A_860, %swap3A_861] {strides = array<i32>} : memref<2x16x1280xi32, #tpu.memory_space<vmem>>, vector<16xi32>,
      tpu.vector_store %arg5[%swap3A_859, %swap3A_860, %swap3A_861], %broadcast_in_dim3A_854 {strides = array<i32>} : memref<2x16x1280xi32, #tpu.memory_space<vmem>>, vector<16xi32>,
      %broadcast_in_dim3A_863 = arith.constant 0 : i32
      %broadcast_in_dim3A_864 = vector.broadcast %broadcast_in_dim3A_863 : i32 to vector<16xi32>
      %mul3A_865 = arith.constant 16 : i32
      %mul3A_866 = arith.muli %scan3A_612, %mul3A_865 : i32
      %swap3A_867 = arith.constant 1 : i32
      %swap3A_868 = arith.constant 9 : i32
      %swap3A_869 = arith.index_cast %swap3A_867 : i32 to index
      %swap3A_870 = arith.index_cast %swap3A_868 : i32 to index
      %swap3A_871 = arith.index_cast %mul3A_866 : i32 to index
      %swap3A_872 = tpu.vector_load %arg5[%swap3A_869, %swap3A_870, %swap3A_871] {strides = array<i32>} : memref<2x16x1280xi32, #tpu.memory_space<vmem>>, vector<16xi32>,
      tpu.vector_store %arg5[%swap3A_869, %swap3A_870, %swap3A_871], %broadcast_in_dim3A_864 {strides = array<i32>} : memref<2x16x1280xi32, #tpu.memory_space<vmem>>, vector<16xi32>,
      %broadcast_in_dim3A_873 = arith.constant 0 : i32
      %broadcast_in_dim3A_874 = vector.broadcast %broadcast_in_dim3A_873 : i32 to vector<16xi32>
      %mul3A_875 = arith.constant 16 : i32
      %mul3A_876 = arith.muli %scan3A_612, %mul3A_875 : i32
      %swap3A_877 = arith.constant 1 : i32
      %swap3A_878 = arith.constant 10 : i32
      %swap3A_879 = arith.index_cast %swap3A_877 : i32 to index
      %swap3A_880 = arith.index_cast %swap3A_878 : i32 to index
      %swap3A_881 = arith.index_cast %mul3A_876 : i32 to index
      %swap3A_882 = tpu.vector_load %arg5[%swap3A_879, %swap3A_880, %swap3A_881] {strides = array<i32>} : memref<2x16x1280xi32, #tpu.memory_space<vmem>>, vector<16xi32>,
      tpu.vector_store %arg5[%swap3A_879, %swap3A_880, %swap3A_881], %broadcast_in_dim3A_874 {strides = array<i32>} : memref<2x16x1280xi32, #tpu.memory_space<vmem>>, vector<16xi32>,
      %broadcast_in_dim3A_883 = arith.constant 0 : i32
      %broadcast_in_dim3A_884 = vector.broadcast %broadcast_in_dim3A_883 : i32 to vector<16xi32>
      %mul3A_885 = arith.constant 16 : i32
      %mul3A_886 = arith.muli %scan3A_612, %mul3A_885 : i32
      %swap3A_887 = arith.constant 1 : i32
      %swap3A_888 = arith.constant 11 : i32
      %swap3A_889 = arith.index_cast %swap3A_887 : i32 to index
      %swap3A_890 = arith.index_cast %swap3A_888 : i32 to index
      %swap3A_891 = arith.index_cast %mul3A_886 : i32 to index
      %swap3A_892 = tpu.vector_load %arg5[%swap3A_889, %swap3A_890, %swap3A_891] {strides = array<i32>} : memref<2x16x1280xi32, #tpu.memory_space<vmem>>, vector<16xi32>,
      tpu.vector_store %arg5[%swap3A_889, %swap3A_890, %swap3A_891], %broadcast_in_dim3A_884 {strides = array<i32>} : memref<2x16x1280xi32, #tpu.memory_space<vmem>>, vector<16xi32>,
      %broadcast_in_dim3A_893 = arith.constant 0 : i32
      %broadcast_in_dim3A_894 = vector.broadcast %broadcast_in_dim3A_893 : i32 to vector<16xi32>
      %mul3A_895 = arith.constant 16 : i32
      %mul3A_896 = arith.muli %scan3A_612, %mul3A_895 : i32
      %swap3A_897 = arith.constant 1 : i32
      %swap3A_898 = arith.constant 12 : i32
      %swap3A_899 = arith.index_cast %swap3A_897 : i32 to index
      %swap3A_900 = arith.index_cast %swap3A_898 : i32 to index
      %swap3A_901 = arith.index_cast %mul3A_896 : i32 to index
      %swap3A_902 = tpu.vector_load %arg5[%swap3A_899, %swap3A_900, %swap3A_901] {strides = array<i32>} : memref<2x16x1280xi32, #tpu.memory_space<vmem>>, vector<16xi32>,
      tpu.vector_store %arg5[%swap3A_899, %swap3A_900, %swap3A_901], %broadcast_in_dim3A_894 {strides = array<i32>} : memref<2x16x1280xi32, #tpu.memory_space<vmem>>, vector<16xi32>,
      %broadcast_in_dim3A_903 = arith.constant 0 : i32
      %broadcast_in_dim3A_904 = vector.broadcast %broadcast_in_dim3A_903 : i32 to vector<16xi32>
      %mul3A_905 = arith.constant 16 : i32
      %mul3A_906 = arith.muli %scan3A_612, %mul3A_905 : i32
      %swap3A_907 = arith.constant 1 : i32
      %swap3A_908 = arith.constant 13 : i32
      %swap3A_909 = arith.index_cast %swap3A_907 : i32 to index
      %swap3A_910 = arith.index_cast %swap3A_908 : i32 to index
      %swap3A_911 = arith.index_cast %mul3A_906 : i32 to index
      %swap3A_912 = tpu.vector_load %arg5[%swap3A_909, %swap3A_910, %swap3A_911] {strides = array<i32>} : memref<2x16x1280xi32, #tpu.memory_space<vmem>>, vector<16xi32>,
      tpu.vector_store %arg5[%swap3A_909, %swap3A_910, %swap3A_911], %broadcast_in_dim3A_904 {strides = array<i32>} : memref<2x16x1280xi32, #tpu.memory_space<vmem>>, vector<16xi32>,
      %broadcast_in_dim3A_913 = arith.constant 0 : i32
      %broadcast_in_dim3A_914 = vector.broadcast %broadcast_in_dim3A_913 : i32 to vector<16xi32>
      %mul3A_915 = arith.constant 16 : i32
      %mul3A_916 = arith.muli %scan3A_612, %mul3A_915 : i32
      %swap3A_917 = arith.constant 1 : i32
      %swap3A_918 = arith.constant 14 : i32
      %swap3A_919 = arith.index_cast %swap3A_917 : i32 to index
      %swap3A_920 = arith.index_cast %swap3A_918 : i32 to index
      %swap3A_921 = arith.index_cast %mul3A_916 : i32 to index
      %swap3A_922 = tpu.vector_load %arg5[%swap3A_919, %swap3A_920, %swap3A_921] {strides = array<i32>} : memref<2x16x1280xi32, #tpu.memory_space<vmem>>, vector<16xi32>,
      tpu.vector_store %arg5[%swap3A_919, %swap3A_920, %swap3A_921], %broadcast_in_dim3A_914 {strides = array<i32>} : memref<2x16x1280xi32, #tpu.memory_space<vmem>>, vector<16xi32>,
      %broadcast_in_dim3A_923 = arith.constant 0 : i32
      %broadcast_in_dim3A_924 = vector.broadcast %broadcast_in_dim3A_923 : i32 to vector<16xi32>
      %mul3A_925 = arith.constant 16 : i32
      %mul3A_926 = arith.muli %scan3A_612, %mul3A_925 : i32
      %swap3A_927 = arith.constant 1 : i32
      %swap3A_928 = arith.constant 15 : i32
      %swap3A_929 = arith.index_cast %swap3A_927 : i32 to index
      %swap3A_930 = arith.index_cast %swap3A_928 : i32 to index
      %swap3A_931 = arith.index_cast %mul3A_926 : i32 to index
      %swap3A_932 = tpu.vector_load %arg5[%swap3A_929, %swap3A_930, %swap3A_931] {strides = array<i32>} : memref<2x16x1280xi32, #tpu.memory_space<vmem>>, vector<16xi32>,
      tpu.vector_store %arg5[%swap3A_929, %swap3A_930, %swap3A_931], %broadcast_in_dim3A_924 {strides = array<i32>} : memref<2x16x1280xi32, #tpu.memory_space<vmem>>, vector<16xi32>,
      %scan3A_933 = arith.constant 0 : i32
      scf.yield %scan3A_933 : i32
    }
    %scan3A_8 = arith.constant 80 : i32
    %iota3A = tpu.iota {dimensions = array<i32: 0>} : vector<16xi32>
    %add3A_9 = arith.constant 0 : i32
    %add3A_10 = arith.addi %mul3A_2, %add3A_9 : i32
    %get3A = arith.index_cast %add3A_10 : i32 to index
    %get3A_11 = tpu.vector_load %arg4[%get3A] {strides = array<i32>} : memref<5120xi32, #tpu.memory_space<vmem>>, vector<16xi32>,
    %add3A_12 = arith.constant 0 : i32
    %add3A_13 = arith.addi %mul3A_2, %add3A_12 : i32
    %add3A_14 = vector.broadcast %add3A_13 : i32 to vector<16xi32>
    %add3A_15 = arith.addi %add3A_14, %iota3A : vector<16xi32>
    %sub3A = arith.constant 49 : i32
    %sub3A_16 = vector.broadcast %sub3A : i32 to vector<16xi32>
    %sub3A_17 = arith.subi %add3A_15, %sub3A_16 : vector<16xi32>
    %shift_right_arithmetic3A = arith.constant 2 : i32
    %shift_right_arithmetic3A_18 = vector.broadcast %shift_right_arithmetic3A : i32 to vector<16xi32>
    %shift_right_arithmetic3A_19 = arith.shrsi %sub3A_17, %shift_right_arithmetic3A_18 : vector<16xi32>
    %sub3A_20 = arith.constant 8 : i32
    %sub3A_21 = vector.broadcast %sub3A_20 : i32 to vector<16xi32>
    %sub3A_22 = arith.subi %shift_right_arithmetic3A_19, %sub3A_21 : vector<16xi32>
    %max3A = arith.constant 0 : i32
    %max3A_23 = vector.broadcast %max3A : i32 to vector<16xi32>
    %max3A_24 = arith.maxsi %sub3A_22, %max3A_23 : vector<16xi32>
    %broadcast_in_dim3A = arith.constant 0 : i32
    %broadcast_in_dim3A_25 = vector.broadcast %broadcast_in_dim3A : i32 to vector<16xi32>
    %scan3A_26 = arith.constant 0 : i32
    %scan3A_27 = arith.constant 0 : i32
    %scan3A_28 = arith.constant 34 : i32
    %scan3A_29 = arith.addi %scan3A_27, %scan3A_28 : i32
    %scan3A_30 = arith.constant 1 : i32
    %scan3A_31 = scf.for %scan3A_612 = %scan3A_27 to %scan3A_29 step %scan3A_30 iter_args(%scan3A_613 = %scan3A_26) -> (i32)  : i32 {
      %add3A_614 = vector.broadcast %scan3A_612 : i32 to vector<16xi32>
      %add3A_615 = arith.addi %max3A_24, %add3A_614 : vector<16xi32>
      %min3A = arith.constant 1279 : i32
      %min3A_616 = vector.broadcast %min3A : i32 to vector<16xi32>
      %min3A_617 = arith.minsi %add3A_615, %min3A_616 : vector<16xi32>
      %shift_left3A = arith.constant 2 : i32
      %shift_left3A_618 = vector.broadcast %shift_left3A : i32 to vector<16xi32>
      %shift_left3A_619 = arith.shli %min3A_617, %shift_left3A_618 : vector<16xi32>
      %broadcast_in_dim3A_620 = arith.constant 0 : i32
      %broadcast_in_dim3A_621 = vector.broadcast %broadcast_in_dim3A_620 : i32 to vector<16xi32>
      %add3A_622 = arith.constant 0 : i32
      %add3A_623 = vector.broadcast %add3A_622 : i32 to vector<16xi32>
      %add3A_624 = arith.addi %shift_left3A_619, %add3A_623 : vector<16xi32>
      %sub3A_625 = arith.subi %add3A_624, %add3A_15 : vector<16xi32>
      %abs3A = math.absi %sub3A_625 : vector<16xi32>
      %le3A = arith.cmpi sle, %abs3A, %get3A_11 : vector<16xi32>
      %jit3A = arith.constant 1 : i32
      %jit3A_626 = arith.constant 0 : i32
      %broadcast_in_dim3A_627 = vector.broadcast %jit3A : i32 to vector<16xi32>
      %broadcast_in_dim3A_628 = vector.broadcast %jit3A_626 : i32 to vector<16xi32>
      %select_n3A = arith.select %le3A, %broadcast_in_dim3A_627, %broadcast_in_dim3A_628 : vector<16xi1>, vector<16xi32>
      %add3A_629 = arith.addi %broadcast_in_dim3A_621, %select_n3A : vector<16xi32>
      %add3A_630 = arith.constant 1 : i32
      %add3A_631 = vector.broadcast %add3A_630 : i32 to vector<16xi32>
      %add3A_632 = arith.addi %shift_left3A_619, %add3A_631 : vector<16xi32>
      %sub3A_633 = arith.subi %add3A_632, %add3A_15 : vector<16xi32>
      %abs3A_634 = math.absi %sub3A_633 : vector<16xi32>
      %le3A_635 = arith.cmpi sle, %abs3A_634, %get3A_11 : vector<16xi32>
      %jit3A_636 = arith.constant 256 : i32
      %jit3A_637 = arith.constant 0 : i32
      %broadcast_in_dim3A_638 = vector.broadcast %jit3A_636 : i32 to vector<16xi32>
      %broadcast_in_dim3A_639 = vector.broadcast %jit3A_637 : i32 to vector<16xi32>
      %select_n3A_640 = arith.select %le3A_635, %broadcast_in_dim3A_638, %broadcast_in_dim3A_639 : vector<16xi1>, vector<16xi32>
      %add3A_641 = arith.addi %add3A_629, %select_n3A_640 : vector<16xi32>
      %add3A_642 = arith.constant 2 : i32
      %add3A_643 = vector.broadcast %add3A_642 : i32 to vector<16xi32>
      %add3A_644 = arith.addi %shift_left3A_619, %add3A_643 : vector<16xi32>
      %sub3A_645 = arith.subi %add3A_644, %add3A_15 : vector<16xi32>
      %abs3A_646 = math.absi %sub3A_645 : vector<16xi32>
      %le3A_647 = arith.cmpi sle, %abs3A_646, %get3A_11 : vector<16xi32>
      %jit3A_648 = arith.constant 65536 : i32
      %jit3A_649 = arith.constant 0 : i32
      %broadcast_in_dim3A_650 = vector.broadcast %jit3A_648 : i32 to vector<16xi32>
      %broadcast_in_dim3A_651 = vector.broadcast %jit3A_649 : i32 to vector<16xi32>
      %select_n3A_652 = arith.select %le3A_647, %broadcast_in_dim3A_650, %broadcast_in_dim3A_651 : vector<16xi1>, vector<16xi32>
      %add3A_653 = arith.addi %add3A_641, %select_n3A_652 : vector<16xi32>
      %add3A_654 = arith.constant 3 : i32
      %add3A_655 = vector.broadcast %add3A_654 : i32 to vector<16xi32>
      %add3A_656 = arith.addi %shift_left3A_619, %add3A_655 : vector<16xi32>
      %sub3A_657 = arith.subi %add3A_656, %add3A_15 : vector<16xi32>
      %abs3A_658 = math.absi %sub3A_657 : vector<16xi32>
      %le3A_659 = arith.cmpi sle, %abs3A_658, %get3A_11 : vector<16xi32>
      %jit3A_660 = arith.constant 16777216 : i32
      %jit3A_661 = arith.constant 0 : i32
      %broadcast_in_dim3A_662 = vector.broadcast %jit3A_660 : i32 to vector<16xi32>
      %broadcast_in_dim3A_663 = vector.broadcast %jit3A_661 : i32 to vector<16xi32>
      %select_n3A_664 = arith.select %le3A_659, %broadcast_in_dim3A_662, %broadcast_in_dim3A_663 : vector<16xi1>, vector<16xi32>
      %add3A_665 = arith.addi %add3A_653, %select_n3A_664 : vector<16xi32>
      tpu.vector_store_idx %arg5[%broadcast_in_dim3A_25, %iota3A, %min3A_617], %add3A_665 : memref<2x16x1280xi32, #tpu.memory_space<vmem>>[vector<16xi32>, vector<16xi32>, vector<16xi32>], vector<16xi32>,
      %scan3A_666 = arith.constant 0 : i32
      scf.yield %scan3A_666 : i32
    }
    %scan3A_32 = arith.constant 34 : i32
    %mul3A_33 = arith.constant 10 : i32
    %mul3A_34 = arith.muli %add3A, %mul3A_33 : i32
    %add3A_35 = arith.constant 0 : i32
    %add3A_36 = arith.addi %mul3A_34, %add3A_35 : i32
    %mul3A_37 = arith.constant 16 : i32
    %mul3A_38 = arith.muli %add3A_36, %mul3A_37 : i32
    %dma_start3A = arith.constant 0 : i32
    %dma_start3A_39 = arith.constant 0 : i32
    %dma_start3A_40 = arith.constant 0 : i32
    %dma_start3A_41 = tpu.memref_slice %arg5[%dma_start3A, %dma_start3A_39, %dma_start3A_40] : memref<2x16x1280xi32, #tpu.memory_space<vmem>> -> memref<1x16x1280xi32, #tpu.memory_space<vmem>>
    %dma_start3A_42 = tpu.memref_squeeze %dma_start3A_41 : memref<1x16x1280xi32, #tpu.memory_space<vmem>> -> memref<16x1280xi32, #tpu.memory_space<vmem>>
    %dma_start3A_43 = arith.constant 0 : i32
    %dma_start3A_44 = tpu.memref_slice %arg3[%mul3A_38, %dma_start3A_43] : memref<5120x1280xi32, #tpu.memory_space<hbm>> -> memref<16x1280xi32, #tpu.memory_space<hbm>>
    %dma_start3A_45 = arith.constant 0 : i32
    %dma_start3A_46 = tpu.memref_slice %arg3[%mul3A_38, %dma_start3A_45] : memref<5120x1280xi32, #tpu.memory_space<hbm>> -> memref<16x1280xi32, #tpu.memory_space<hbm>>
    %dma_start3A_47 = arith.constant 0 : i32
    %dma_start3A_48 = arith.constant 0 : i32
    %dma_start3A_49 = tpu.memref_slice %arg5[%dma_start3A, %dma_start3A_47, %dma_start3A_48] : memref<2x16x1280xi32, #tpu.memory_space<vmem>> -> memref<1x16x1280xi32, #tpu.memory_space<vmem>>
    %dma_start3A_50 = tpu.memref_squeeze %dma_start3A_49 : memref<1x16x1280xi32, #tpu.memory_space<vmem>> -> memref<16x1280xi32, #tpu.memory_space<vmem>>
    tpu.enqueue_dma source(%dma_start3A_50 : memref<16x1280xi32, #tpu.memory_space<vmem>>) target(%dma_start3A_46 : memref<16x1280xi32, #tpu.memory_space<hbm>>) target_semaphore(%arg6 : memref<!tpu.dma_semaphore, #tpu.memory_space<semaphore_mem>>)
    %add3A_51 = arith.constant 16 : i32
    %add3A_52 = arith.addi %mul3A_2, %add3A_51 : i32
    %get3A_53 = arith.index_cast %add3A_52 : i32 to index
    %get3A_54 = tpu.vector_load %arg4[%get3A_53] {strides = array<i32>} : memref<5120xi32, #tpu.memory_space<vmem>>, vector<16xi32>,
    %add3A_55 = arith.constant 16 : i32
    %add3A_56 = arith.addi %mul3A_2, %add3A_55 : i32
    %add3A_57 = vector.broadcast %add3A_56 : i32 to vector<16xi32>
    %add3A_58 = arith.addi %add3A_57, %iota3A : vector<16xi32>
    %sub3A_59 = arith.constant 49 : i32
    %sub3A_60 = vector.broadcast %sub3A_59 : i32 to vector<16xi32>
    %sub3A_61 = arith.subi %add3A_58, %sub3A_60 : vector<16xi32>
    %shift_right_arithmetic3A_62 = arith.constant 2 : i32
    %shift_right_arithmetic3A_63 = vector.broadcast %shift_right_arithmetic3A_62 : i32 to vector<16xi32>
    %shift_right_arithmetic3A_64 = arith.shrsi %sub3A_61, %shift_right_arithmetic3A_63 : vector<16xi32>
    %sub3A_65 = arith.constant 8 : i32
    %sub3A_66 = vector.broadcast %sub3A_65 : i32 to vector<16xi32>
    %sub3A_67 = arith.subi %shift_right_arithmetic3A_64, %sub3A_66 : vector<16xi32>
    %max3A_68 = arith.constant 0 : i32
    %max3A_69 = vector.broadcast %max3A_68 : i32 to vector<16xi32>
    %max3A_70 = arith.maxsi %sub3A_67, %max3A_69 : vector<16xi32>
    %broadcast_in_dim3A_71 = arith.constant 1 : i32
    %broadcast_in_dim3A_72 = vector.broadcast %broadcast_in_dim3A_71 : i32 to vector<16xi32>
    %scan3A_73 = arith.constant 0 : i32
    %scan3A_74 = arith.constant 0 : i32
    %scan3A_75 = arith.constant 34 : i32
    %scan3A_76 = arith.addi %scan3A_74, %scan3A_75 : i32
    %scan3A_77 = arith.constant 1 : i32
    %scan3A_78 = scf.for %scan3A_612 = %scan3A_74 to %scan3A_76 step %scan3A_77 iter_args(%scan3A_613 = %scan3A_73) -> (i32)  : i32 {
      %add3A_614 = vector.broadcast %scan3A_612 : i32 to vector<16xi32>
      %add3A_615 = arith.addi %max3A_70, %add3A_614 : vector<16xi32>
      %min3A = arith.constant 1279 : i32
      %min3A_616 = vector.broadcast %min3A : i32 to vector<16xi32>
      %min3A_617 = arith.minsi %add3A_615, %min3A_616 : vector<16xi32>
      %shift_left3A = arith.constant 2 : i32
      %shift_left3A_618 = vector.broadcast %shift_left3A : i32 to vector<16xi32>
      %shift_left3A_619 = arith.shli %min3A_617, %shift_left3A_618 : vector<16xi32>
      %broadcast_in_dim3A_620 = arith.constant 0 : i32
      %broadcast_in_dim3A_621 = vector.broadcast %broadcast_in_dim3A_620 : i32 to vector<16xi32>
      %add3A_622 = arith.constant 0 : i32
      %add3A_623 = vector.broadcast %add3A_622 : i32 to vector<16xi32>
      %add3A_624 = arith.addi %shift_left3A_619, %add3A_623 : vector<16xi32>
      %sub3A_625 = arith.subi %add3A_624, %add3A_58 : vector<16xi32>
      %abs3A = math.absi %sub3A_625 : vector<16xi32>
      %le3A = arith.cmpi sle, %abs3A, %get3A_54 : vector<16xi32>
      %jit3A = arith.constant 1 : i32
      %jit3A_626 = arith.constant 0 : i32
      %broadcast_in_dim3A_627 = vector.broadcast %jit3A : i32 to vector<16xi32>
      %broadcast_in_dim3A_628 = vector.broadcast %jit3A_626 : i32 to vector<16xi32>
      %select_n3A = arith.select %le3A, %broadcast_in_dim3A_627, %broadcast_in_dim3A_628 : vector<16xi1>, vector<16xi32>
      %add3A_629 = arith.addi %broadcast_in_dim3A_621, %select_n3A : vector<16xi32>
      %add3A_630 = arith.constant 1 : i32
      %add3A_631 = vector.broadcast %add3A_630 : i32 to vector<16xi32>
      %add3A_632 = arith.addi %shift_left3A_619, %add3A_631 : vector<16xi32>
      %sub3A_633 = arith.subi %add3A_632, %add3A_58 : vector<16xi32>
      %abs3A_634 = math.absi %sub3A_633 : vector<16xi32>
      %le3A_635 = arith.cmpi sle, %abs3A_634, %get3A_54 : vector<16xi32>
      %jit3A_636 = arith.constant 256 : i32
      %jit3A_637 = arith.constant 0 : i32
      %broadcast_in_dim3A_638 = vector.broadcast %jit3A_636 : i32 to vector<16xi32>
      %broadcast_in_dim3A_639 = vector.broadcast %jit3A_637 : i32 to vector<16xi32>
      %select_n3A_640 = arith.select %le3A_635, %broadcast_in_dim3A_638, %broadcast_in_dim3A_639 : vector<16xi1>, vector<16xi32>
      %add3A_641 = arith.addi %add3A_629, %select_n3A_640 : vector<16xi32>
      %add3A_642 = arith.constant 2 : i32
      %add3A_643 = vector.broadcast %add3A_642 : i32 to vector<16xi32>
      %add3A_644 = arith.addi %shift_left3A_619, %add3A_643 : vector<16xi32>
      %sub3A_645 = arith.subi %add3A_644, %add3A_58 : vector<16xi32>
      %abs3A_646 = math.absi %sub3A_645 : vector<16xi32>
      %le3A_647 = arith.cmpi sle, %abs3A_646, %get3A_54 : vector<16xi32>
      %jit3A_648 = arith.constant 65536 : i32
      %jit3A_649 = arith.constant 0 : i32
      %broadcast_in_dim3A_650 = vector.broadcast %jit3A_648 : i32 to vector<16xi32>
      %broadcast_in_dim3A_651 = vector.broadcast %jit3A_649 : i32 to vector<16xi32>
      %select_n3A_652 = arith.select %le3A_647, %broadcast_in_dim3A_650, %broadcast_in_dim3A_651 : vector<16xi1>, vector<16xi32>
      %add3A_653 = arith.addi %add3A_641, %select_n3A_652 : vector<16xi32>
      %add3A_654 = arith.constant 3 : i32
      %add3A_655 = vector.broadcast %add3A_654 : i32 to vector<16xi32>
      %add3A_656 = arith.addi %shift_left3A_619, %add3A_655 : vector<16xi32>
      %sub3A_657 = arith.subi %add3A_656, %add3A_58 : vector<16xi32>
      %abs3A_658 = math.absi %sub3A_657 : vector<16xi32>
      %le3A_659 = arith.cmpi sle, %abs3A_658, %get3A_54 : vector<16xi32>
      %jit3A_660 = arith.constant 16777216 : i32
      %jit3A_661 = arith.constant 0 : i32
      %broadcast_in_dim3A_662 = vector.broadcast %jit3A_660 : i32 to vector<16xi32>
      %broadcast_in_dim3A_663 = vector.broadcast %jit3A_661 : i32 to vector<16xi32>
      %select_n3A_664 = arith.select %le3A_659, %broadcast_in_dim3A_662, %broadcast_in_dim3A_663 : vector<16xi1>, vector<16xi32>
      %add3A_665 = arith.addi %add3A_653, %select_n3A_664 : vector<16xi32>
      tpu.vector_store_idx %arg5[%broadcast_in_dim3A_72, %iota3A, %min3A_617], %add3A_665 : memref<2x16x1280xi32, #tpu.memory_space<vmem>>[vector<16xi32>, vector<16xi32>, vector<16xi32>], vector<16xi32>,
      %scan3A_666 = arith.constant 0 : i32
      scf.yield %scan3A_666 : i32
    }
    %scan3A_79 = arith.constant 34 : i32
    %mul3A_80 = arith.constant 10 : i32
    %mul3A_81 = arith.muli %add3A, %mul3A_80 : i32
    %add3A_82 = arith.constant 1 : i32
    %add3A_83 = arith.addi %mul3A_81, %add3A_82 : i32
    %mul3A_84 = arith.constant 16 : i32
    %mul3A_85 = arith.muli %add3A_83, %mul3A_84 : i32
    %dma_start3A_86 = arith.constant 1 : i32
    %dma_start3A_87 = arith.constant 0 : i32
    %dma_start3A_88 = arith.constant 0 : i32
    %dma_start3A_89 = tpu.memref_slice %arg5[%dma_start3A_86, %dma_start3A_87, %dma_start3A_88] : memref<2x16x1280xi32, #tpu.memory_space<vmem>> -> memref<1x16x1280xi32, #tpu.memory_space<vmem>>
    %dma_start3A_90 = tpu.memref_squeeze %dma_start3A_89 : memref<1x16x1280xi32, #tpu.memory_space<vmem>> -> memref<16x1280xi32, #tpu.memory_space<vmem>>
    %dma_start3A_91 = arith.constant 0 : i32
    %dma_start3A_92 = tpu.memref_slice %arg3[%mul3A_85, %dma_start3A_91] : memref<5120x1280xi32, #tpu.memory_space<hbm>> -> memref<16x1280xi32, #tpu.memory_space<hbm>>
    %dma_start3A_93 = arith.constant 0 : i32
    %dma_start3A_94 = tpu.memref_slice %arg3[%mul3A_85, %dma_start3A_93] : memref<5120x1280xi32, #tpu.memory_space<hbm>> -> memref<16x1280xi32, #tpu.memory_space<hbm>>
    %dma_start3A_95 = arith.constant 0 : i32
    %dma_start3A_96 = arith.constant 0 : i32
    %dma_start3A_97 = tpu.memref_slice %arg5[%dma_start3A_86, %dma_start3A_95, %dma_start3A_96] : memref<2x16x1280xi32, #tpu.memory_space<vmem>> -> memref<1x16x1280xi32, #tpu.memory_space<vmem>>
    %dma_start3A_98 = tpu.memref_squeeze %dma_start3A_97 : memref<1x16x1280xi32, #tpu.memory_space<vmem>> -> memref<16x1280xi32, #tpu.memory_space<vmem>>
    tpu.enqueue_dma source(%dma_start3A_98 : memref<16x1280xi32, #tpu.memory_space<vmem>>) target(%dma_start3A_94 : memref<16x1280xi32, #tpu.memory_space<hbm>>) target_semaphore(%arg7 : memref<!tpu.dma_semaphore, #tpu.memory_space<semaphore_mem>>)
    %dma_wait3A = arith.constant 0 : i32
    %dma_wait3A_99 = arith.constant 0 : i32
    %dma_wait3A_100 = arith.constant 0 : i32
    %dma_wait3A_101 = tpu.memref_slice %arg5[%dma_wait3A, %dma_wait3A_99, %dma_wait3A_100] : memref<2x16x1280xi32, #tpu.memory_space<vmem>> -> memref<1x16x1280xi32, #tpu.memory_space<vmem>>
    %dma_wait3A_102 = tpu.memref_squeeze %dma_wait3A_101 : memref<1x16x1280xi32, #tpu.memory_space<vmem>> -> memref<16x1280xi32, #tpu.memory_space<vmem>>
    %dma_wait3A_103 = arith.constant 0 : i32
    %dma_wait3A_104 = tpu.memref_slice %arg3[%mul3A_38, %dma_wait3A_103] : memref<5120x1280xi32, #tpu.memory_space<hbm>> -> memref<16x1280xi32, #tpu.memory_space<hbm>>
    %dma_wait3A_105 = arith.constant 0 : i32
    %dma_wait3A_106 = tpu.memref_slice %arg3[%mul3A_38, %dma_wait3A_105] : memref<5120x1280xi32, #tpu.memory_space<hbm>> -> memref<16x1280xi32, #tpu.memory_space<hbm>>
    %dma_wait3A_107 = arith.constant 0 : i32
    %dma_wait3A_108 = arith.constant 0 : i32
    %dma_wait3A_109 = tpu.memref_slice %arg5[%dma_wait3A, %dma_wait3A_107, %dma_wait3A_108] : memref<2x16x1280xi32, #tpu.memory_space<vmem>> -> memref<1x16x1280xi32, #tpu.memory_space<vmem>>
    %dma_wait3A_110 = tpu.memref_squeeze %dma_wait3A_109 : memref<1x16x1280xi32, #tpu.memory_space<vmem>> -> memref<16x1280xi32, #tpu.memory_space<vmem>>
    tpu.wait_dma2 semaphore(%arg6 : memref<!tpu.dma_semaphore, #tpu.memory_space<semaphore_mem>>) src(%dma_wait3A_110 : memref<16x1280xi32, #tpu.memory_space<vmem>>) dst(%dma_wait3A_106 : memref<16x1280xi32, #tpu.memory_space<hbm>>)
    %add3A_111 = arith.constant 32 : i32
    %add3A_112 = arith.addi %mul3A_2, %add3A_111 : i32
    %get3A_113 = arith.index_cast %add3A_112 : i32 to index
    %get3A_114 = tpu.vector_load %arg4[%get3A_113] {strides = array<i32>} : memref<5120xi32, #tpu.memory_space<vmem>>, vector<16xi32>,
    %add3A_115 = arith.constant 32 : i32
    %add3A_116 = arith.addi %mul3A_2, %add3A_115 : i32
    %add3A_117 = vector.broadcast %add3A_116 : i32 to vector<16xi32>
    %add3A_118 = arith.addi %add3A_117, %iota3A : vector<16xi32>
    %sub3A_119 = arith.constant 49 : i32
    %sub3A_120 = vector.broadcast %sub3A_119 : i32 to vector<16xi32>
    %sub3A_121 = arith.subi %add3A_118, %sub3A_120 : vector<16xi32>
    %shift_right_arithmetic3A_122 = arith.constant 2 : i32
    %shift_right_arithmetic3A_123 = vector.broadcast %shift_right_arithmetic3A_122 : i32 to vector<16xi32>
    %shift_right_arithmetic3A_124 = arith.shrsi %sub3A_121, %shift_right_arithmetic3A_123 : vector<16xi32>
    %sub3A_125 = arith.constant 8 : i32
    %sub3A_126 = vector.broadcast %sub3A_125 : i32 to vector<16xi32>
    %sub3A_127 = arith.subi %shift_right_arithmetic3A_124, %sub3A_126 : vector<16xi32>
    %max3A_128 = arith.constant 0 : i32
    %max3A_129 = vector.broadcast %max3A_128 : i32 to vector<16xi32>
    %max3A_130 = arith.maxsi %sub3A_127, %max3A_129 : vector<16xi32>
    %broadcast_in_dim3A_131 = arith.constant 0 : i32
    %broadcast_in_dim3A_132 = vector.broadcast %broadcast_in_dim3A_131 : i32 to vector<16xi32>
    %scan3A_133 = arith.constant 0 : i32
    %scan3A_134 = arith.constant 0 : i32
    %scan3A_135 = arith.constant 34 : i32
    %scan3A_136 = arith.addi %scan3A_134, %scan3A_135 : i32
    %scan3A_137 = arith.constant 1 : i32
    %scan3A_138 = scf.for %scan3A_612 = %scan3A_134 to %scan3A_136 step %scan3A_137 iter_args(%scan3A_613 = %scan3A_133) -> (i32)  : i32 {
      %add3A_614 = vector.broadcast %scan3A_612 : i32 to vector<16xi32>
      %add3A_615 = arith.addi %max3A_130, %add3A_614 : vector<16xi32>
      %min3A = arith.constant 1279 : i32
      %min3A_616 = vector.broadcast %min3A : i32 to vector<16xi32>
      %min3A_617 = arith.minsi %add3A_615, %min3A_616 : vector<16xi32>
      %shift_left3A = arith.constant 2 : i32
      %shift_left3A_618 = vector.broadcast %shift_left3A : i32 to vector<16xi32>
      %shift_left3A_619 = arith.shli %min3A_617, %shift_left3A_618 : vector<16xi32>
      %broadcast_in_dim3A_620 = arith.constant 0 : i32
      %broadcast_in_dim3A_621 = vector.broadcast %broadcast_in_dim3A_620 : i32 to vector<16xi32>
      %add3A_622 = arith.constant 0 : i32
      %add3A_623 = vector.broadcast %add3A_622 : i32 to vector<16xi32>
      %add3A_624 = arith.addi %shift_left3A_619, %add3A_623 : vector<16xi32>
      %sub3A_625 = arith.subi %add3A_624, %add3A_118 : vector<16xi32>
      %abs3A = math.absi %sub3A_625 : vector<16xi32>
      %le3A = arith.cmpi sle, %abs3A, %get3A_114 : vector<16xi32>
      %jit3A = arith.constant 1 : i32
      %jit3A_626 = arith.constant 0 : i32
      %broadcast_in_dim3A_627 = vector.broadcast %jit3A : i32 to vector<16xi32>
      %broadcast_in_dim3A_628 = vector.broadcast %jit3A_626 : i32 to vector<16xi32>
      %select_n3A = arith.select %le3A, %broadcast_in_dim3A_627, %broadcast_in_dim3A_628 : vector<16xi1>, vector<16xi32>
      %add3A_629 = arith.addi %broadcast_in_dim3A_621, %select_n3A : vector<16xi32>
      %add3A_630 = arith.constant 1 : i32
      %add3A_631 = vector.broadcast %add3A_630 : i32 to vector<16xi32>
      %add3A_632 = arith.addi %shift_left3A_619, %add3A_631 : vector<16xi32>
      %sub3A_633 = arith.subi %add3A_632, %add3A_118 : vector<16xi32>
      %abs3A_634 = math.absi %sub3A_633 : vector<16xi32>
      %le3A_635 = arith.cmpi sle, %abs3A_634, %get3A_114 : vector<16xi32>
      %jit3A_636 = arith.constant 256 : i32
      %jit3A_637 = arith.constant 0 : i32
      %broadcast_in_dim3A_638 = vector.broadcast %jit3A_636 : i32 to vector<16xi32>
      %broadcast_in_dim3A_639 = vector.broadcast %jit3A_637 : i32 to vector<16xi32>
      %select_n3A_640 = arith.select %le3A_635, %broadcast_in_dim3A_638, %broadcast_in_dim3A_639 : vector<16xi1>, vector<16xi32>
      %add3A_641 = arith.addi %add3A_629, %select_n3A_640 : vector<16xi32>
      %add3A_642 = arith.constant 2 : i32
      %add3A_643 = vector.broadcast %add3A_642 : i32 to vector<16xi32>
      %add3A_644 = arith.addi %shift_left3A_619, %add3A_643 : vector<16xi32>
      %sub3A_645 = arith.subi %add3A_644, %add3A_118 : vector<16xi32>
      %abs3A_646 = math.absi %sub3A_645 : vector<16xi32>
      %le3A_647 = arith.cmpi sle, %abs3A_646, %get3A_114 : vector<16xi32>
      %jit3A_648 = arith.constant 65536 : i32
      %jit3A_649 = arith.constant 0 : i32
      %broadcast_in_dim3A_650 = vector.broadcast %jit3A_648 : i32 to vector<16xi32>
      %broadcast_in_dim3A_651 = vector.broadcast %jit3A_649 : i32 to vector<16xi32>
      %select_n3A_652 = arith.select %le3A_647, %broadcast_in_dim3A_650, %broadcast_in_dim3A_651 : vector<16xi1>, vector<16xi32>
      %add3A_653 = arith.addi %add3A_641, %select_n3A_652 : vector<16xi32>
      %add3A_654 = arith.constant 3 : i32
      %add3A_655 = vector.broadcast %add3A_654 : i32 to vector<16xi32>
      %add3A_656 = arith.addi %shift_left3A_619, %add3A_655 : vector<16xi32>
      %sub3A_657 = arith.subi %add3A_656, %add3A_118 : vector<16xi32>
      %abs3A_658 = math.absi %sub3A_657 : vector<16xi32>
      %le3A_659 = arith.cmpi sle, %abs3A_658, %get3A_114 : vector<16xi32>
      %jit3A_660 = arith.constant 16777216 : i32
      %jit3A_661 = arith.constant 0 : i32
      %broadcast_in_dim3A_662 = vector.broadcast %jit3A_660 : i32 to vector<16xi32>
      %broadcast_in_dim3A_663 = vector.broadcast %jit3A_661 : i32 to vector<16xi32>
      %select_n3A_664 = arith.select %le3A_659, %broadcast_in_dim3A_662, %broadcast_in_dim3A_663 : vector<16xi1>, vector<16xi32>
      %add3A_665 = arith.addi %add3A_653, %select_n3A_664 : vector<16xi32>
      tpu.vector_store_idx %arg5[%broadcast_in_dim3A_132, %iota3A, %min3A_617], %add3A_665 : memref<2x16x1280xi32, #tpu.memory_space<vmem>>[vector<16xi32>, vector<16xi32>, vector<16xi32>], vector<16xi32>,
      %scan3A_666 = arith.constant 0 : i32
      scf.yield %scan3A_666 : i32
    }
    %scan3A_139 = arith.constant 34 : i32
    %mul3A_140 = arith.constant 10 : i32
    %mul3A_141 = arith.muli %add3A, %mul3A_140 : i32
    %add3A_142 = arith.constant 2 : i32
    %add3A_143 = arith.addi %mul3A_141, %add3A_142 : i32
    %mul3A_144 = arith.constant 16 : i32
    %mul3A_145 = arith.muli %add3A_143, %mul3A_144 : i32
    %dma_start3A_146 = arith.constant 0 : i32
    %dma_start3A_147 = arith.constant 0 : i32
    %dma_start3A_148 = arith.constant 0 : i32
    %dma_start3A_149 = tpu.memref_slice %arg5[%dma_start3A_146, %dma_start3A_147, %dma_start3A_148] : memref<2x16x1280xi32, #tpu.memory_space<vmem>> -> memref<1x16x1280xi32, #tpu.memory_space<vmem>>
    %dma_start3A_150 = tpu.memref_squeeze %dma_start3A_149 : memref<1x16x1280xi32, #tpu.memory_space<vmem>> -> memref<16x1280xi32, #tpu.memory_space<vmem>>
    %dma_start3A_151 = arith.constant 0 : i32
    %dma_start3A_152 = tpu.memref_slice %arg3[%mul3A_145, %dma_start3A_151] : memref<5120x1280xi32, #tpu.memory_space<hbm>> -> memref<16x1280xi32, #tpu.memory_space<hbm>>
    %dma_start3A_153 = arith.constant 0 : i32
    %dma_start3A_154 = tpu.memref_slice %arg3[%mul3A_145, %dma_start3A_153] : memref<5120x1280xi32, #tpu.memory_space<hbm>> -> memref<16x1280xi32, #tpu.memory_space<hbm>>
    %dma_start3A_155 = arith.constant 0 : i32
    %dma_start3A_156 = arith.constant 0 : i32
    %dma_start3A_157 = tpu.memref_slice %arg5[%dma_start3A_146, %dma_start3A_155, %dma_start3A_156] : memref<2x16x1280xi32, #tpu.memory_space<vmem>> -> memref<1x16x1280xi32, #tpu.memory_space<vmem>>
    %dma_start3A_158 = tpu.memref_squeeze %dma_start3A_157 : memref<1x16x1280xi32, #tpu.memory_space<vmem>> -> memref<16x1280xi32, #tpu.memory_space<vmem>>
    tpu.enqueue_dma source(%dma_start3A_158 : memref<16x1280xi32, #tpu.memory_space<vmem>>) target(%dma_start3A_154 : memref<16x1280xi32, #tpu.memory_space<hbm>>) target_semaphore(%arg6 : memref<!tpu.dma_semaphore, #tpu.memory_space<semaphore_mem>>)
    %dma_wait3A_159 = arith.constant 1 : i32
    %dma_wait3A_160 = arith.constant 0 : i32
    %dma_wait3A_161 = arith.constant 0 : i32
    %dma_wait3A_162 = tpu.memref_slice %arg5[%dma_wait3A_159, %dma_wait3A_160, %dma_wait3A_161] : memref<2x16x1280xi32, #tpu.memory_space<vmem>> -> memref<1x16x1280xi32, #tpu.memory_space<vmem>>
    %dma_wait3A_163 = tpu.memref_squeeze %dma_wait3A_162 : memref<1x16x1280xi32, #tpu.memory_space<vmem>> -> memref<16x1280xi32, #tpu.memory_space<vmem>>
    %dma_wait3A_164 = arith.constant 0 : i32
    %dma_wait3A_165 = tpu.memref_slice %arg3[%mul3A_85, %dma_wait3A_164] : memref<5120x1280xi32, #tpu.memory_space<hbm>> -> memref<16x1280xi32, #tpu.memory_space<hbm>>
    %dma_wait3A_166 = arith.constant 0 : i32
    %dma_wait3A_167 = tpu.memref_slice %arg3[%mul3A_85, %dma_wait3A_166] : memref<5120x1280xi32, #tpu.memory_space<hbm>> -> memref<16x1280xi32, #tpu.memory_space<hbm>>
    %dma_wait3A_168 = arith.constant 0 : i32
    %dma_wait3A_169 = arith.constant 0 : i32
    %dma_wait3A_170 = tpu.memref_slice %arg5[%dma_wait3A_159, %dma_wait3A_168, %dma_wait3A_169] : memref<2x16x1280xi32, #tpu.memory_space<vmem>> -> memref<1x16x1280xi32, #tpu.memory_space<vmem>>
    %dma_wait3A_171 = tpu.memref_squeeze %dma_wait3A_170 : memref<1x16x1280xi32, #tpu.memory_space<vmem>> -> memref<16x1280xi32, #tpu.memory_space<vmem>>
    tpu.wait_dma2 semaphore(%arg7 : memref<!tpu.dma_semaphore, #tpu.memory_space<semaphore_mem>>) src(%dma_wait3A_171 : memref<16x1280xi32, #tpu.memory_space<vmem>>) dst(%dma_wait3A_167 : memref<16x1280xi32, #tpu.memory_space<hbm>>)
    %add3A_172 = arith.constant 48 : i32
    %add3A_173 = arith.addi %mul3A_2, %add3A_172 : i32
    %get3A_174 = arith.index_cast %add3A_173 : i32 to index
    %get3A_175 = tpu.vector_load %arg4[%get3A_174] {strides = array<i32>} : memref<5120xi32, #tpu.memory_space<vmem>>, vector<16xi32>,
    %add3A_176 = arith.constant 48 : i32
    %add3A_177 = arith.addi %mul3A_2, %add3A_176 : i32
    %add3A_178 = vector.broadcast %add3A_177 : i32 to vector<16xi32>
    %add3A_179 = arith.addi %add3A_178, %iota3A : vector<16xi32>
    %sub3A_180 = arith.constant 49 : i32
    %sub3A_181 = vector.broadcast %sub3A_180 : i32 to vector<16xi32>
    %sub3A_182 = arith.subi %add3A_179, %sub3A_181 : vector<16xi32>
    %shift_right_arithmetic3A_183 = arith.constant 2 : i32
    %shift_right_arithmetic3A_184 = vector.broadcast %shift_right_arithmetic3A_183 : i32 to vector<16xi32>
    %shift_right_arithmetic3A_185 = arith.shrsi %sub3A_182, %shift_right_arithmetic3A_184 : vector<16xi32>
    %sub3A_186 = arith.constant 8 : i32
    %sub3A_187 = vector.broadcast %sub3A_186 : i32 to vector<16xi32>
    %sub3A_188 = arith.subi %shift_right_arithmetic3A_185, %sub3A_187 : vector<16xi32>
    %max3A_189 = arith.constant 0 : i32
    %max3A_190 = vector.broadcast %max3A_189 : i32 to vector<16xi32>
    %max3A_191 = arith.maxsi %sub3A_188, %max3A_190 : vector<16xi32>
    %broadcast_in_dim3A_192 = arith.constant 1 : i32
    %broadcast_in_dim3A_193 = vector.broadcast %broadcast_in_dim3A_192 : i32 to vector<16xi32>
    %scan3A_194 = arith.constant 0 : i32
    %scan3A_195 = arith.constant 0 : i32
    %scan3A_196 = arith.constant 34 : i32
    %scan3A_197 = arith.addi %scan3A_195, %scan3A_196 : i32
    %scan3A_198 = arith.constant 1 : i32
    %scan3A_199 = scf.for %scan3A_612 = %scan3A_195 to %scan3A_197 step %scan3A_198 iter_args(%scan3A_613 = %scan3A_194) -> (i32)  : i32 {
      %add3A_614 = vector.broadcast %scan3A_612 : i32 to vector<16xi32>
      %add3A_615 = arith.addi %max3A_191, %add3A_614 : vector<16xi32>
      %min3A = arith.constant 1279 : i32
      %min3A_616 = vector.broadcast %min3A : i32 to vector<16xi32>
      %min3A_617 = arith.minsi %add3A_615, %min3A_616 : vector<16xi32>
      %shift_left3A = arith.constant 2 : i32
      %shift_left3A_618 = vector.broadcast %shift_left3A : i32 to vector<16xi32>
      %shift_left3A_619 = arith.shli %min3A_617, %shift_left3A_618 : vector<16xi32>
      %broadcast_in_dim3A_620 = arith.constant 0 : i32
      %broadcast_in_dim3A_621 = vector.broadcast %broadcast_in_dim3A_620 : i32 to vector<16xi32>
      %add3A_622 = arith.constant 0 : i32
      %add3A_623 = vector.broadcast %add3A_622 : i32 to vector<16xi32>
      %add3A_624 = arith.addi %shift_left3A_619, %add3A_623 : vector<16xi32>
      %sub3A_625 = arith.subi %add3A_624, %add3A_179 : vector<16xi32>
      %abs3A = math.absi %sub3A_625 : vector<16xi32>
      %le3A = arith.cmpi sle, %abs3A, %get3A_175 : vector<16xi32>
      %jit3A = arith.constant 1 : i32
      %jit3A_626 = arith.constant 0 : i32
      %broadcast_in_dim3A_627 = vector.broadcast %jit3A : i32 to vector<16xi32>
      %broadcast_in_dim3A_628 = vector.broadcast %jit3A_626 : i32 to vector<16xi32>
      %select_n3A = arith.select %le3A, %broadcast_in_dim3A_627, %broadcast_in_dim3A_628 : vector<16xi1>, vector<16xi32>
      %add3A_629 = arith.addi %broadcast_in_dim3A_621, %select_n3A : vector<16xi32>
      %add3A_630 = arith.constant 1 : i32
      %add3A_631 = vector.broadcast %add3A_630 : i32 to vector<16xi32>
      %add3A_632 = arith.addi %shift_left3A_619, %add3A_631 : vector<16xi32>
      %sub3A_633 = arith.subi %add3A_632, %add3A_179 : vector<16xi32>
      %abs3A_634 = math.absi %sub3A_633 : vector<16xi32>
      %le3A_635 = arith.cmpi sle, %abs3A_634, %get3A_175 : vector<16xi32>
      %jit3A_636 = arith.constant 256 : i32
      %jit3A_637 = arith.constant 0 : i32
      %broadcast_in_dim3A_638 = vector.broadcast %jit3A_636 : i32 to vector<16xi32>
      %broadcast_in_dim3A_639 = vector.broadcast %jit3A_637 : i32 to vector<16xi32>
      %select_n3A_640 = arith.select %le3A_635, %broadcast_in_dim3A_638, %broadcast_in_dim3A_639 : vector<16xi1>, vector<16xi32>
      %add3A_641 = arith.addi %add3A_629, %select_n3A_640 : vector<16xi32>
      %add3A_642 = arith.constant 2 : i32
      %add3A_643 = vector.broadcast %add3A_642 : i32 to vector<16xi32>
      %add3A_644 = arith.addi %shift_left3A_619, %add3A_643 : vector<16xi32>
      %sub3A_645 = arith.subi %add3A_644, %add3A_179 : vector<16xi32>
      %abs3A_646 = math.absi %sub3A_645 : vector<16xi32>
      %le3A_647 = arith.cmpi sle, %abs3A_646, %get3A_175 : vector<16xi32>
      %jit3A_648 = arith.constant 65536 : i32
      %jit3A_649 = arith.constant 0 : i32
      %broadcast_in_dim3A_650 = vector.broadcast %jit3A_648 : i32 to vector<16xi32>
      %broadcast_in_dim3A_651 = vector.broadcast %jit3A_649 : i32 to vector<16xi32>
      %select_n3A_652 = arith.select %le3A_647, %broadcast_in_dim3A_650, %broadcast_in_dim3A_651 : vector<16xi1>, vector<16xi32>
      %add3A_653 = arith.addi %add3A_641, %select_n3A_652 : vector<16xi32>
      %add3A_654 = arith.constant 3 : i32
      %add3A_655 = vector.broadcast %add3A_654 : i32 to vector<16xi32>
      %add3A_656 = arith.addi %shift_left3A_619, %add3A_655 : vector<16xi32>
      %sub3A_657 = arith.subi %add3A_656, %add3A_179 : vector<16xi32>
      %abs3A_658 = math.absi %sub3A_657 : vector<16xi32>
      %le3A_659 = arith.cmpi sle, %abs3A_658, %get3A_175 : vector<16xi32>
      %jit3A_660 = arith.constant 16777216 : i32
      %jit3A_661 = arith.constant 0 : i32
      %broadcast_in_dim3A_662 = vector.broadcast %jit3A_660 : i32 to vector<16xi32>
      %broadcast_in_dim3A_663 = vector.broadcast %jit3A_661 : i32 to vector<16xi32>
      %select_n3A_664 = arith.select %le3A_659, %broadcast_in_dim3A_662, %broadcast_in_dim3A_663 : vector<16xi1>, vector<16xi32>
      %add3A_665 = arith.addi %add3A_653, %select_n3A_664 : vector<16xi32>
      tpu.vector_store_idx %arg5[%broadcast_in_dim3A_193, %iota3A, %min3A_617], %add3A_665 : memref<2x16x1280xi32, #tpu.memory_space<vmem>>[vector<16xi32>, vector<16xi32>, vector<16xi32>], vector<16xi32>,
      %scan3A_666 = arith.constant 0 : i32
      scf.yield %scan3A_666 : i32
    }
    %scan3A_200 = arith.constant 34 : i32
    %mul3A_201 = arith.constant 10 : i32
    %mul3A_202 = arith.muli %add3A, %mul3A_201 : i32
    %add3A_203 = arith.constant 3 : i32
    %add3A_204 = arith.addi %mul3A_202, %add3A_203 : i32
    %mul3A_205 = arith.constant 16 : i32
    %mul3A_206 = arith.muli %add3A_204, %mul3A_205 : i32
    %dma_start3A_207 = arith.constant 1 : i32
    %dma_start3A_208 = arith.constant 0 : i32
    %dma_start3A_209 = arith.constant 0 : i32
    %dma_start3A_210 = tpu.memref_slice %arg5[%dma_start3A_207, %dma_start3A_208, %dma_start3A_209] : memref<2x16x1280xi32, #tpu.memory_space<vmem>> -> memref<1x16x1280xi32, #tpu.memory_space<vmem>>
    %dma_start3A_211 = tpu.memref_squeeze %dma_start3A_210 : memref<1x16x1280xi32, #tpu.memory_space<vmem>> -> memref<16x1280xi32, #tpu.memory_space<vmem>>
    %dma_start3A_212 = arith.constant 0 : i32
    %dma_start3A_213 = tpu.memref_slice %arg3[%mul3A_206, %dma_start3A_212] : memref<5120x1280xi32, #tpu.memory_space<hbm>> -> memref<16x1280xi32, #tpu.memory_space<hbm>>
    %dma_start3A_214 = arith.constant 0 : i32
    %dma_start3A_215 = tpu.memref_slice %arg3[%mul3A_206, %dma_start3A_214] : memref<5120x1280xi32, #tpu.memory_space<hbm>> -> memref<16x1280xi32, #tpu.memory_space<hbm>>
    %dma_start3A_216 = arith.constant 0 : i32
    %dma_start3A_217 = arith.constant 0 : i32
    %dma_start3A_218 = tpu.memref_slice %arg5[%dma_start3A_207, %dma_start3A_216, %dma_start3A_217] : memref<2x16x1280xi32, #tpu.memory_space<vmem>> -> memref<1x16x1280xi32, #tpu.memory_space<vmem>>
    %dma_start3A_219 = tpu.memref_squeeze %dma_start3A_218 : memref<1x16x1280xi32, #tpu.memory_space<vmem>> -> memref<16x1280xi32, #tpu.memory_space<vmem>>
    tpu.enqueue_dma source(%dma_start3A_219 : memref<16x1280xi32, #tpu.memory_space<vmem>>) target(%dma_start3A_215 : memref<16x1280xi32, #tpu.memory_space<hbm>>) target_semaphore(%arg7 : memref<!tpu.dma_semaphore, #tpu.memory_space<semaphore_mem>>)
    %dma_wait3A_220 = arith.constant 0 : i32
    %dma_wait3A_221 = arith.constant 0 : i32
    %dma_wait3A_222 = arith.constant 0 : i32
    %dma_wait3A_223 = tpu.memref_slice %arg5[%dma_wait3A_220, %dma_wait3A_221, %dma_wait3A_222] : memref<2x16x1280xi32, #tpu.memory_space<vmem>> -> memref<1x16x1280xi32, #tpu.memory_space<vmem>>
    %dma_wait3A_224 = tpu.memref_squeeze %dma_wait3A_223 : memref<1x16x1280xi32, #tpu.memory_space<vmem>> -> memref<16x1280xi32, #tpu.memory_space<vmem>>
    %dma_wait3A_225 = arith.constant 0 : i32
    %dma_wait3A_226 = tpu.memref_slice %arg3[%mul3A_145, %dma_wait3A_225] : memref<5120x1280xi32, #tpu.memory_space<hbm>> -> memref<16x1280xi32, #tpu.memory_space<hbm>>
    %dma_wait3A_227 = arith.constant 0 : i32
    %dma_wait3A_228 = tpu.memref_slice %arg3[%mul3A_145, %dma_wait3A_227] : memref<5120x1280xi32, #tpu.memory_space<hbm>> -> memref<16x1280xi32, #tpu.memory_space<hbm>>
    %dma_wait3A_229 = arith.constant 0 : i32
    %dma_wait3A_230 = arith.constant 0 : i32
    %dma_wait3A_231 = tpu.memref_slice %arg5[%dma_wait3A_220, %dma_wait3A_229, %dma_wait3A_230] : memref<2x16x1280xi32, #tpu.memory_space<vmem>> -> memref<1x16x1280xi32, #tpu.memory_space<vmem>>
    %dma_wait3A_232 = tpu.memref_squeeze %dma_wait3A_231 : memref<1x16x1280xi32, #tpu.memory_space<vmem>> -> memref<16x1280xi32, #tpu.memory_space<vmem>>
    tpu.wait_dma2 semaphore(%arg6 : memref<!tpu.dma_semaphore, #tpu.memory_space<semaphore_mem>>) src(%dma_wait3A_232 : memref<16x1280xi32, #tpu.memory_space<vmem>>) dst(%dma_wait3A_228 : memref<16x1280xi32, #tpu.memory_space<hbm>>)
    %add3A_233 = arith.constant 64 : i32
    %add3A_234 = arith.addi %mul3A_2, %add3A_233 : i32
    %get3A_235 = arith.index_cast %add3A_234 : i32 to index
    %get3A_236 = tpu.vector_load %arg4[%get3A_235] {strides = array<i32>} : memref<5120xi32, #tpu.memory_space<vmem>>, vector<16xi32>,
    %add3A_237 = arith.constant 64 : i32
    %add3A_238 = arith.addi %mul3A_2, %add3A_237 : i32
    %add3A_239 = vector.broadcast %add3A_238 : i32 to vector<16xi32>
    %add3A_240 = arith.addi %add3A_239, %iota3A : vector<16xi32>
    %sub3A_241 = arith.constant 49 : i32
    %sub3A_242 = vector.broadcast %sub3A_241 : i32 to vector<16xi32>
    %sub3A_243 = arith.subi %add3A_240, %sub3A_242 : vector<16xi32>
    %shift_right_arithmetic3A_244 = arith.constant 2 : i32
    %shift_right_arithmetic3A_245 = vector.broadcast %shift_right_arithmetic3A_244 : i32 to vector<16xi32>
    %shift_right_arithmetic3A_246 = arith.shrsi %sub3A_243, %shift_right_arithmetic3A_245 : vector<16xi32>
    %sub3A_247 = arith.constant 8 : i32
    %sub3A_248 = vector.broadcast %sub3A_247 : i32 to vector<16xi32>
    %sub3A_249 = arith.subi %shift_right_arithmetic3A_246, %sub3A_248 : vector<16xi32>
    %max3A_250 = arith.constant 0 : i32
    %max3A_251 = vector.broadcast %max3A_250 : i32 to vector<16xi32>
    %max3A_252 = arith.maxsi %sub3A_249, %max3A_251 : vector<16xi32>
    %broadcast_in_dim3A_253 = arith.constant 0 : i32
    %broadcast_in_dim3A_254 = vector.broadcast %broadcast_in_dim3A_253 : i32 to vector<16xi32>
    %scan3A_255 = arith.constant 0 : i32
    %scan3A_256 = arith.constant 0 : i32
    %scan3A_257 = arith.constant 34 : i32
    %scan3A_258 = arith.addi %scan3A_256, %scan3A_257 : i32
    %scan3A_259 = arith.constant 1 : i32
    %scan3A_260 = scf.for %scan3A_612 = %scan3A_256 to %scan3A_258 step %scan3A_259 iter_args(%scan3A_613 = %scan3A_255) -> (i32)  : i32 {
      %add3A_614 = vector.broadcast %scan3A_612 : i32 to vector<16xi32>
      %add3A_615 = arith.addi %max3A_252, %add3A_614 : vector<16xi32>
      %min3A = arith.constant 1279 : i32
      %min3A_616 = vector.broadcast %min3A : i32 to vector<16xi32>
      %min3A_617 = arith.minsi %add3A_615, %min3A_616 : vector<16xi32>
      %shift_left3A = arith.constant 2 : i32
      %shift_left3A_618 = vector.broadcast %shift_left3A : i32 to vector<16xi32>
      %shift_left3A_619 = arith.shli %min3A_617, %shift_left3A_618 : vector<16xi32>
      %broadcast_in_dim3A_620 = arith.constant 0 : i32
      %broadcast_in_dim3A_621 = vector.broadcast %broadcast_in_dim3A_620 : i32 to vector<16xi32>
      %add3A_622 = arith.constant 0 : i32
      %add3A_623 = vector.broadcast %add3A_622 : i32 to vector<16xi32>
      %add3A_624 = arith.addi %shift_left3A_619, %add3A_623 : vector<16xi32>
      %sub3A_625 = arith.subi %add3A_624, %add3A_240 : vector<16xi32>
      %abs3A = math.absi %sub3A_625 : vector<16xi32>
      %le3A = arith.cmpi sle, %abs3A, %get3A_236 : vector<16xi32>
      %jit3A = arith.constant 1 : i32
      %jit3A_626 = arith.constant 0 : i32
      %broadcast_in_dim3A_627 = vector.broadcast %jit3A : i32 to vector<16xi32>
      %broadcast_in_dim3A_628 = vector.broadcast %jit3A_626 : i32 to vector<16xi32>
      %select_n3A = arith.select %le3A, %broadcast_in_dim3A_627, %broadcast_in_dim3A_628 : vector<16xi1>, vector<16xi32>
      %add3A_629 = arith.addi %broadcast_in_dim3A_621, %select_n3A : vector<16xi32>
      %add3A_630 = arith.constant 1 : i32
      %add3A_631 = vector.broadcast %add3A_630 : i32 to vector<16xi32>
      %add3A_632 = arith.addi %shift_left3A_619, %add3A_631 : vector<16xi32>
      %sub3A_633 = arith.subi %add3A_632, %add3A_240 : vector<16xi32>
      %abs3A_634 = math.absi %sub3A_633 : vector<16xi32>
      %le3A_635 = arith.cmpi sle, %abs3A_634, %get3A_236 : vector<16xi32>
      %jit3A_636 = arith.constant 256 : i32
      %jit3A_637 = arith.constant 0 : i32
      %broadcast_in_dim3A_638 = vector.broadcast %jit3A_636 : i32 to vector<16xi32>
      %broadcast_in_dim3A_639 = vector.broadcast %jit3A_637 : i32 to vector<16xi32>
      %select_n3A_640 = arith.select %le3A_635, %broadcast_in_dim3A_638, %broadcast_in_dim3A_639 : vector<16xi1>, vector<16xi32>
      %add3A_641 = arith.addi %add3A_629, %select_n3A_640 : vector<16xi32>
      %add3A_642 = arith.constant 2 : i32
      %add3A_643 = vector.broadcast %add3A_642 : i32 to vector<16xi32>
      %add3A_644 = arith.addi %shift_left3A_619, %add3A_643 : vector<16xi32>
      %sub3A_645 = arith.subi %add3A_644, %add3A_240 : vector<16xi32>
      %abs3A_646 = math.absi %sub3A_645 : vector<16xi32>
      %le3A_647 = arith.cmpi sle, %abs3A_646, %get3A_236 : vector<16xi32>
      %jit3A_648 = arith.constant 65536 : i32
      %jit3A_649 = arith.constant 0 : i32
      %broadcast_in_dim3A_650 = vector.broadcast %jit3A_648 : i32 to vector<16xi32>
      %broadcast_in_dim3A_651 = vector.broadcast %jit3A_649 : i32 to vector<16xi32>
      %select_n3A_652 = arith.select %le3A_647, %broadcast_in_dim3A_650, %broadcast_in_dim3A_651 : vector<16xi1>, vector<16xi32>
      %add3A_653 = arith.addi %add3A_641, %select_n3A_652 : vector<16xi32>
      %add3A_654 = arith.constant 3 : i32
      %add3A_655 = vector.broadcast %add3A_654 : i32 to vector<16xi32>
      %add3A_656 = arith.addi %shift_left3A_619, %add3A_655 : vector<16xi32>
      %sub3A_657 = arith.subi %add3A_656, %add3A_240 : vector<16xi32>
      %abs3A_658 = math.absi %sub3A_657 : vector<16xi32>
      %le3A_659 = arith.cmpi sle, %abs3A_658, %get3A_236 : vector<16xi32>
      %jit3A_660 = arith.constant 16777216 : i32
      %jit3A_661 = arith.constant 0 : i32
      %broadcast_in_dim3A_662 = vector.broadcast %jit3A_660 : i32 to vector<16xi32>
      %broadcast_in_dim3A_663 = vector.broadcast %jit3A_661 : i32 to vector<16xi32>
      %select_n3A_664 = arith.select %le3A_659, %broadcast_in_dim3A_662, %broadcast_in_dim3A_663 : vector<16xi1>, vector<16xi32>
      %add3A_665 = arith.addi %add3A_653, %select_n3A_664 : vector<16xi32>
      tpu.vector_store_idx %arg5[%broadcast_in_dim3A_254, %iota3A, %min3A_617], %add3A_665 : memref<2x16x1280xi32, #tpu.memory_space<vmem>>[vector<16xi32>, vector<16xi32>, vector<16xi32>], vector<16xi32>,
      %scan3A_666 = arith.constant 0 : i32
      scf.yield %scan3A_666 : i32
    }
    %scan3A_261 = arith.constant 34 : i32
    %mul3A_262 = arith.constant 10 : i32
    %mul3A_263 = arith.muli %add3A, %mul3A_262 : i32
    %add3A_264 = arith.constant 4 : i32
    %add3A_265 = arith.addi %mul3A_263, %add3A_264 : i32
    %mul3A_266 = arith.constant 16 : i32
    %mul3A_267 = arith.muli %add3A_265, %mul3A_266 : i32
    %dma_start3A_268 = arith.constant 0 : i32
    %dma_start3A_269 = arith.constant 0 : i32
    %dma_start3A_270 = arith.constant 0 : i32
    %dma_start3A_271 = tpu.memref_slice %arg5[%dma_start3A_268, %dma_start3A_269, %dma_start3A_270] : memref<2x16x1280xi32, #tpu.memory_space<vmem>> -> memref<1x16x1280xi32, #tpu.memory_space<vmem>>
    %dma_start3A_272 = tpu.memref_squeeze %dma_start3A_271 : memref<1x16x1280xi32, #tpu.memory_space<vmem>> -> memref<16x1280xi32, #tpu.memory_space<vmem>>
    %dma_start3A_273 = arith.constant 0 : i32
    %dma_start3A_274 = tpu.memref_slice %arg3[%mul3A_267, %dma_start3A_273] : memref<5120x1280xi32, #tpu.memory_space<hbm>> -> memref<16x1280xi32, #tpu.memory_space<hbm>>
    %dma_start3A_275 = arith.constant 0 : i32
    %dma_start3A_276 = tpu.memref_slice %arg3[%mul3A_267, %dma_start3A_275] : memref<5120x1280xi32, #tpu.memory_space<hbm>> -> memref<16x1280xi32, #tpu.memory_space<hbm>>
    %dma_start3A_277 = arith.constant 0 : i32
    %dma_start3A_278 = arith.constant 0 : i32
    %dma_start3A_279 = tpu.memref_slice %arg5[%dma_start3A_268, %dma_start3A_277, %dma_start3A_278] : memref<2x16x1280xi32, #tpu.memory_space<vmem>> -> memref<1x16x1280xi32, #tpu.memory_space<vmem>>
    %dma_start3A_280 = tpu.memref_squeeze %dma_start3A_279 : memref<1x16x1280xi32, #tpu.memory_space<vmem>> -> memref<16x1280xi32, #tpu.memory_space<vmem>>
    tpu.enqueue_dma source(%dma_start3A_280 : memref<16x1280xi32, #tpu.memory_space<vmem>>) target(%dma_start3A_276 : memref<16x1280xi32, #tpu.memory_space<hbm>>) target_semaphore(%arg6 : memref<!tpu.dma_semaphore, #tpu.memory_space<semaphore_mem>>)
    %dma_wait3A_281 = arith.constant 1 : i32
    %dma_wait3A_282 = arith.constant 0 : i32
    %dma_wait3A_283 = arith.constant 0 : i32
    %dma_wait3A_284 = tpu.memref_slice %arg5[%dma_wait3A_281, %dma_wait3A_282, %dma_wait3A_283] : memref<2x16x1280xi32, #tpu.memory_space<vmem>> -> memref<1x16x1280xi32, #tpu.memory_space<vmem>>
    %dma_wait3A_285 = tpu.memref_squeeze %dma_wait3A_284 : memref<1x16x1280xi32, #tpu.memory_space<vmem>> -> memref<16x1280xi32, #tpu.memory_space<vmem>>
    %dma_wait3A_286 = arith.constant 0 : i32
    %dma_wait3A_287 = tpu.memref_slice %arg3[%mul3A_206, %dma_wait3A_286] : memref<5120x1280xi32, #tpu.memory_space<hbm>> -> memref<16x1280xi32, #tpu.memory_space<hbm>>
    %dma_wait3A_288 = arith.constant 0 : i32
    %dma_wait3A_289 = tpu.memref_slice %arg3[%mul3A_206, %dma_wait3A_288] : memref<5120x1280xi32, #tpu.memory_space<hbm>> -> memref<16x1280xi32, #tpu.memory_space<hbm>>
    %dma_wait3A_290 = arith.constant 0 : i32
    %dma_wait3A_291 = arith.constant 0 : i32
    %dma_wait3A_292 = tpu.memref_slice %arg5[%dma_wait3A_281, %dma_wait3A_290, %dma_wait3A_291] : memref<2x16x1280xi32, #tpu.memory_space<vmem>> -> memref<1x16x1280xi32, #tpu.memory_space<vmem>>
    %dma_wait3A_293 = tpu.memref_squeeze %dma_wait3A_292 : memref<1x16x1280xi32, #tpu.memory_space<vmem>> -> memref<16x1280xi32, #tpu.memory_space<vmem>>
    tpu.wait_dma2 semaphore(%arg7 : memref<!tpu.dma_semaphore, #tpu.memory_space<semaphore_mem>>) src(%dma_wait3A_293 : memref<16x1280xi32, #tpu.memory_space<vmem>>) dst(%dma_wait3A_289 : memref<16x1280xi32, #tpu.memory_space<hbm>>)
    %add3A_294 = arith.constant 80 : i32
    %add3A_295 = arith.addi %mul3A_2, %add3A_294 : i32
    %get3A_296 = arith.index_cast %add3A_295 : i32 to index
    %get3A_297 = tpu.vector_load %arg4[%get3A_296] {strides = array<i32>} : memref<5120xi32, #tpu.memory_space<vmem>>, vector<16xi32>,
    %add3A_298 = arith.constant 80 : i32
    %add3A_299 = arith.addi %mul3A_2, %add3A_298 : i32
    %add3A_300 = vector.broadcast %add3A_299 : i32 to vector<16xi32>
    %add3A_301 = arith.addi %add3A_300, %iota3A : vector<16xi32>
    %sub3A_302 = arith.constant 49 : i32
    %sub3A_303 = vector.broadcast %sub3A_302 : i32 to vector<16xi32>
    %sub3A_304 = arith.subi %add3A_301, %sub3A_303 : vector<16xi32>
    %shift_right_arithmetic3A_305 = arith.constant 2 : i32
    %shift_right_arithmetic3A_306 = vector.broadcast %shift_right_arithmetic3A_305 : i32 to vector<16xi32>
    %shift_right_arithmetic3A_307 = arith.shrsi %sub3A_304, %shift_right_arithmetic3A_306 : vector<16xi32>
    %sub3A_308 = arith.constant 8 : i32
    %sub3A_309 = vector.broadcast %sub3A_308 : i32 to vector<16xi32>
    %sub3A_310 = arith.subi %shift_right_arithmetic3A_307, %sub3A_309 : vector<16xi32>
    %max3A_311 = arith.constant 0 : i32
    %max3A_312 = vector.broadcast %max3A_311 : i32 to vector<16xi32>
    %max3A_313 = arith.maxsi %sub3A_310, %max3A_312 : vector<16xi32>
    %broadcast_in_dim3A_314 = arith.constant 1 : i32
    %broadcast_in_dim3A_315 = vector.broadcast %broadcast_in_dim3A_314 : i32 to vector<16xi32>
    %scan3A_316 = arith.constant 0 : i32
    %scan3A_317 = arith.constant 0 : i32
    %scan3A_318 = arith.constant 34 : i32
    %scan3A_319 = arith.addi %scan3A_317, %scan3A_318 : i32
    %scan3A_320 = arith.constant 1 : i32
    %scan3A_321 = scf.for %scan3A_612 = %scan3A_317 to %scan3A_319 step %scan3A_320 iter_args(%scan3A_613 = %scan3A_316) -> (i32)  : i32 {
      %add3A_614 = vector.broadcast %scan3A_612 : i32 to vector<16xi32>
      %add3A_615 = arith.addi %max3A_313, %add3A_614 : vector<16xi32>
      %min3A = arith.constant 1279 : i32
      %min3A_616 = vector.broadcast %min3A : i32 to vector<16xi32>
      %min3A_617 = arith.minsi %add3A_615, %min3A_616 : vector<16xi32>
      %shift_left3A = arith.constant 2 : i32
      %shift_left3A_618 = vector.broadcast %shift_left3A : i32 to vector<16xi32>
      %shift_left3A_619 = arith.shli %min3A_617, %shift_left3A_618 : vector<16xi32>
      %broadcast_in_dim3A_620 = arith.constant 0 : i32
      %broadcast_in_dim3A_621 = vector.broadcast %broadcast_in_dim3A_620 : i32 to vector<16xi32>
      %add3A_622 = arith.constant 0 : i32
      %add3A_623 = vector.broadcast %add3A_622 : i32 to vector<16xi32>
      %add3A_624 = arith.addi %shift_left3A_619, %add3A_623 : vector<16xi32>
      %sub3A_625 = arith.subi %add3A_624, %add3A_301 : vector<16xi32>
      %abs3A = math.absi %sub3A_625 : vector<16xi32>
      %le3A = arith.cmpi sle, %abs3A, %get3A_297 : vector<16xi32>
      %jit3A = arith.constant 1 : i32
      %jit3A_626 = arith.constant 0 : i32
      %broadcast_in_dim3A_627 = vector.broadcast %jit3A : i32 to vector<16xi32>
      %broadcast_in_dim3A_628 = vector.broadcast %jit3A_626 : i32 to vector<16xi32>
      %select_n3A = arith.select %le3A, %broadcast_in_dim3A_627, %broadcast_in_dim3A_628 : vector<16xi1>, vector<16xi32>
      %add3A_629 = arith.addi %broadcast_in_dim3A_621, %select_n3A : vector<16xi32>
      %add3A_630 = arith.constant 1 : i32
      %add3A_631 = vector.broadcast %add3A_630 : i32 to vector<16xi32>
      %add3A_632 = arith.addi %shift_left3A_619, %add3A_631 : vector<16xi32>
      %sub3A_633 = arith.subi %add3A_632, %add3A_301 : vector<16xi32>
      %abs3A_634 = math.absi %sub3A_633 : vector<16xi32>
      %le3A_635 = arith.cmpi sle, %abs3A_634, %get3A_297 : vector<16xi32>
      %jit3A_636 = arith.constant 256 : i32
      %jit3A_637 = arith.constant 0 : i32
      %broadcast_in_dim3A_638 = vector.broadcast %jit3A_636 : i32 to vector<16xi32>
      %broadcast_in_dim3A_639 = vector.broadcast %jit3A_637 : i32 to vector<16xi32>
      %select_n3A_640 = arith.select %le3A_635, %broadcast_in_dim3A_638, %broadcast_in_dim3A_639 : vector<16xi1>, vector<16xi32>
      %add3A_641 = arith.addi %add3A_629, %select_n3A_640 : vector<16xi32>
      %add3A_642 = arith.constant 2 : i32
      %add3A_643 = vector.broadcast %add3A_642 : i32 to vector<16xi32>
      %add3A_644 = arith.addi %shift_left3A_619, %add3A_643 : vector<16xi32>
      %sub3A_645 = arith.subi %add3A_644, %add3A_301 : vector<16xi32>
      %abs3A_646 = math.absi %sub3A_645 : vector<16xi32>
      %le3A_647 = arith.cmpi sle, %abs3A_646, %get3A_297 : vector<16xi32>
      %jit3A_648 = arith.constant 65536 : i32
      %jit3A_649 = arith.constant 0 : i32
      %broadcast_in_dim3A_650 = vector.broadcast %jit3A_648 : i32 to vector<16xi32>
      %broadcast_in_dim3A_651 = vector.broadcast %jit3A_649 : i32 to vector<16xi32>
      %select_n3A_652 = arith.select %le3A_647, %broadcast_in_dim3A_650, %broadcast_in_dim3A_651 : vector<16xi1>, vector<16xi32>
      %add3A_653 = arith.addi %add3A_641, %select_n3A_652 : vector<16xi32>
      %add3A_654 = arith.constant 3 : i32
      %add3A_655 = vector.broadcast %add3A_654 : i32 to vector<16xi32>
      %add3A_656 = arith.addi %shift_left3A_619, %add3A_655 : vector<16xi32>
      %sub3A_657 = arith.subi %add3A_656, %add3A_301 : vector<16xi32>
      %abs3A_658 = math.absi %sub3A_657 : vector<16xi32>
      %le3A_659 = arith.cmpi sle, %abs3A_658, %get3A_297 : vector<16xi32>
      %jit3A_660 = arith.constant 16777216 : i32
      %jit3A_661 = arith.constant 0 : i32
      %broadcast_in_dim3A_662 = vector.broadcast %jit3A_660 : i32 to vector<16xi32>
      %broadcast_in_dim3A_663 = vector.broadcast %jit3A_661 : i32 to vector<16xi32>
      %select_n3A_664 = arith.select %le3A_659, %broadcast_in_dim3A_662, %broadcast_in_dim3A_663 : vector<16xi1>, vector<16xi32>
      %add3A_665 = arith.addi %add3A_653, %select_n3A_664 : vector<16xi32>
      tpu.vector_store_idx %arg5[%broadcast_in_dim3A_315, %iota3A, %min3A_617], %add3A_665 : memref<2x16x1280xi32, #tpu.memory_space<vmem>>[vector<16xi32>, vector<16xi32>, vector<16xi32>], vector<16xi32>,
      %scan3A_666 = arith.constant 0 : i32
      scf.yield %scan3A_666 : i32
    }
    %scan3A_322 = arith.constant 34 : i32
    %mul3A_323 = arith.constant 10 : i32
    %mul3A_324 = arith.muli %add3A, %mul3A_323 : i32
    %add3A_325 = arith.constant 5 : i32
    %add3A_326 = arith.addi %mul3A_324, %add3A_325 : i32
    %mul3A_327 = arith.constant 16 : i32
    %mul3A_328 = arith.muli %add3A_326, %mul3A_327 : i32
    %dma_start3A_329 = arith.constant 1 : i32
    %dma_start3A_330 = arith.constant 0 : i32
    %dma_start3A_331 = arith.constant 0 : i32
    %dma_start3A_332 = tpu.memref_slice %arg5[%dma_start3A_329, %dma_start3A_330, %dma_start3A_331] : memref<2x16x1280xi32, #tpu.memory_space<vmem>> -> memref<1x16x1280xi32, #tpu.memory_space<vmem>>
    %dma_start3A_333 = tpu.memref_squeeze %dma_start3A_332 : memref<1x16x1280xi32, #tpu.memory_space<vmem>> -> memref<16x1280xi32, #tpu.memory_space<vmem>>
    %dma_start3A_334 = arith.constant 0 : i32
    %dma_start3A_335 = tpu.memref_slice %arg3[%mul3A_328, %dma_start3A_334] : memref<5120x1280xi32, #tpu.memory_space<hbm>> -> memref<16x1280xi32, #tpu.memory_space<hbm>>
    %dma_start3A_336 = arith.constant 0 : i32
    %dma_start3A_337 = tpu.memref_slice %arg3[%mul3A_328, %dma_start3A_336] : memref<5120x1280xi32, #tpu.memory_space<hbm>> -> memref<16x1280xi32, #tpu.memory_space<hbm>>
    %dma_start3A_338 = arith.constant 0 : i32
    %dma_start3A_339 = arith.constant 0 : i32
    %dma_start3A_340 = tpu.memref_slice %arg5[%dma_start3A_329, %dma_start3A_338, %dma_start3A_339] : memref<2x16x1280xi32, #tpu.memory_space<vmem>> -> memref<1x16x1280xi32, #tpu.memory_space<vmem>>
    %dma_start3A_341 = tpu.memref_squeeze %dma_start3A_340 : memref<1x16x1280xi32, #tpu.memory_space<vmem>> -> memref<16x1280xi32, #tpu.memory_space<vmem>>
    tpu.enqueue_dma source(%dma_start3A_341 : memref<16x1280xi32, #tpu.memory_space<vmem>>) target(%dma_start3A_337 : memref<16x1280xi32, #tpu.memory_space<hbm>>) target_semaphore(%arg7 : memref<!tpu.dma_semaphore, #tpu.memory_space<semaphore_mem>>)
    %dma_wait3A_342 = arith.constant 0 : i32
    %dma_wait3A_343 = arith.constant 0 : i32
    %dma_wait3A_344 = arith.constant 0 : i32
    %dma_wait3A_345 = tpu.memref_slice %arg5[%dma_wait3A_342, %dma_wait3A_343, %dma_wait3A_344] : memref<2x16x1280xi32, #tpu.memory_space<vmem>> -> memref<1x16x1280xi32, #tpu.memory_space<vmem>>
    %dma_wait3A_346 = tpu.memref_squeeze %dma_wait3A_345 : memref<1x16x1280xi32, #tpu.memory_space<vmem>> -> memref<16x1280xi32, #tpu.memory_space<vmem>>
    %dma_wait3A_347 = arith.constant 0 : i32
    %dma_wait3A_348 = tpu.memref_slice %arg3[%mul3A_267, %dma_wait3A_347] : memref<5120x1280xi32, #tpu.memory_space<hbm>> -> memref<16x1280xi32, #tpu.memory_space<hbm>>
    %dma_wait3A_349 = arith.constant 0 : i32
    %dma_wait3A_350 = tpu.memref_slice %arg3[%mul3A_267, %dma_wait3A_349] : memref<5120x1280xi32, #tpu.memory_space<hbm>> -> memref<16x1280xi32, #tpu.memory_space<hbm>>
    %dma_wait3A_351 = arith.constant 0 : i32
    %dma_wait3A_352 = arith.constant 0 : i32
    %dma_wait3A_353 = tpu.memref_slice %arg5[%dma_wait3A_342, %dma_wait3A_351, %dma_wait3A_352] : memref<2x16x1280xi32, #tpu.memory_space<vmem>> -> memref<1x16x1280xi32, #tpu.memory_space<vmem>>
    %dma_wait3A_354 = tpu.memref_squeeze %dma_wait3A_353 : memref<1x16x1280xi32, #tpu.memory_space<vmem>> -> memref<16x1280xi32, #tpu.memory_space<vmem>>
    tpu.wait_dma2 semaphore(%arg6 : memref<!tpu.dma_semaphore, #tpu.memory_space<semaphore_mem>>) src(%dma_wait3A_354 : memref<16x1280xi32, #tpu.memory_space<vmem>>) dst(%dma_wait3A_350 : memref<16x1280xi32, #tpu.memory_space<hbm>>)
    %add3A_355 = arith.constant 96 : i32
    %add3A_356 = arith.addi %mul3A_2, %add3A_355 : i32
    %get3A_357 = arith.index_cast %add3A_356 : i32 to index
    %get3A_358 = tpu.vector_load %arg4[%get3A_357] {strides = array<i32>} : memref<5120xi32, #tpu.memory_space<vmem>>, vector<16xi32>,
    %add3A_359 = arith.constant 96 : i32
    %add3A_360 = arith.addi %mul3A_2, %add3A_359 : i32
    %add3A_361 = vector.broadcast %add3A_360 : i32 to vector<16xi32>
    %add3A_362 = arith.addi %add3A_361, %iota3A : vector<16xi32>
    %sub3A_363 = arith.constant 49 : i32
    %sub3A_364 = vector.broadcast %sub3A_363 : i32 to vector<16xi32>
    %sub3A_365 = arith.subi %add3A_362, %sub3A_364 : vector<16xi32>
    %shift_right_arithmetic3A_366 = arith.constant 2 : i32
    %shift_right_arithmetic3A_367 = vector.broadcast %shift_right_arithmetic3A_366 : i32 to vector<16xi32>
    %shift_right_arithmetic3A_368 = arith.shrsi %sub3A_365, %shift_right_arithmetic3A_367 : vector<16xi32>
    %sub3A_369 = arith.constant 8 : i32
    %sub3A_370 = vector.broadcast %sub3A_369 : i32 to vector<16xi32>
    %sub3A_371 = arith.subi %shift_right_arithmetic3A_368, %sub3A_370 : vector<16xi32>
    %max3A_372 = arith.constant 0 : i32
    %max3A_373 = vector.broadcast %max3A_372 : i32 to vector<16xi32>
    %max3A_374 = arith.maxsi %sub3A_371, %max3A_373 : vector<16xi32>
    %broadcast_in_dim3A_375 = arith.constant 0 : i32
    %broadcast_in_dim3A_376 = vector.broadcast %broadcast_in_dim3A_375 : i32 to vector<16xi32>
    %scan3A_377 = arith.constant 0 : i32
    %scan3A_378 = arith.constant 0 : i32
    %scan3A_379 = arith.constant 34 : i32
    %scan3A_380 = arith.addi %scan3A_378, %scan3A_379 : i32
    %scan3A_381 = arith.constant 1 : i32
    %scan3A_382 = scf.for %scan3A_612 = %scan3A_378 to %scan3A_380 step %scan3A_381 iter_args(%scan3A_613 = %scan3A_377) -> (i32)  : i32 {
      %add3A_614 = vector.broadcast %scan3A_612 : i32 to vector<16xi32>
      %add3A_615 = arith.addi %max3A_374, %add3A_614 : vector<16xi32>
      %min3A = arith.constant 1279 : i32
      %min3A_616 = vector.broadcast %min3A : i32 to vector<16xi32>
      %min3A_617 = arith.minsi %add3A_615, %min3A_616 : vector<16xi32>
      %shift_left3A = arith.constant 2 : i32
      %shift_left3A_618 = vector.broadcast %shift_left3A : i32 to vector<16xi32>
      %shift_left3A_619 = arith.shli %min3A_617, %shift_left3A_618 : vector<16xi32>
      %broadcast_in_dim3A_620 = arith.constant 0 : i32
      %broadcast_in_dim3A_621 = vector.broadcast %broadcast_in_dim3A_620 : i32 to vector<16xi32>
      %add3A_622 = arith.constant 0 : i32
      %add3A_623 = vector.broadcast %add3A_622 : i32 to vector<16xi32>
      %add3A_624 = arith.addi %shift_left3A_619, %add3A_623 : vector<16xi32>
      %sub3A_625 = arith.subi %add3A_624, %add3A_362 : vector<16xi32>
      %abs3A = math.absi %sub3A_625 : vector<16xi32>
      %le3A = arith.cmpi sle, %abs3A, %get3A_358 : vector<16xi32>
      %jit3A = arith.constant 1 : i32
      %jit3A_626 = arith.constant 0 : i32
      %broadcast_in_dim3A_627 = vector.broadcast %jit3A : i32 to vector<16xi32>
      %broadcast_in_dim3A_628 = vector.broadcast %jit3A_626 : i32 to vector<16xi32>
      %select_n3A = arith.select %le3A, %broadcast_in_dim3A_627, %broadcast_in_dim3A_628 : vector<16xi1>, vector<16xi32>
      %add3A_629 = arith.addi %broadcast_in_dim3A_621, %select_n3A : vector<16xi32>
      %add3A_630 = arith.constant 1 : i32
      %add3A_631 = vector.broadcast %add3A_630 : i32 to vector<16xi32>
      %add3A_632 = arith.addi %shift_left3A_619, %add3A_631 : vector<16xi32>
      %sub3A_633 = arith.subi %add3A_632, %add3A_362 : vector<16xi32>
      %abs3A_634 = math.absi %sub3A_633 : vector<16xi32>
      %le3A_635 = arith.cmpi sle, %abs3A_634, %get3A_358 : vector<16xi32>
      %jit3A_636 = arith.constant 256 : i32
      %jit3A_637 = arith.constant 0 : i32
      %broadcast_in_dim3A_638 = vector.broadcast %jit3A_636 : i32 to vector<16xi32>
      %broadcast_in_dim3A_639 = vector.broadcast %jit3A_637 : i32 to vector<16xi32>
      %select_n3A_640 = arith.select %le3A_635, %broadcast_in_dim3A_638, %broadcast_in_dim3A_639 : vector<16xi1>, vector<16xi32>
      %add3A_641 = arith.addi %add3A_629, %select_n3A_640 : vector<16xi32>
      %add3A_642 = arith.constant 2 : i32
      %add3A_643 = vector.broadcast %add3A_642 : i32 to vector<16xi32>
      %add3A_644 = arith.addi %shift_left3A_619, %add3A_643 : vector<16xi32>
      %sub3A_645 = arith.subi %add3A_644, %add3A_362 : vector<16xi32>
      %abs3A_646 = math.absi %sub3A_645 : vector<16xi32>
      %le3A_647 = arith.cmpi sle, %abs3A_646, %get3A_358 : vector<16xi32>
      %jit3A_648 = arith.constant 65536 : i32
      %jit3A_649 = arith.constant 0 : i32
      %broadcast_in_dim3A_650 = vector.broadcast %jit3A_648 : i32 to vector<16xi32>
      %broadcast_in_dim3A_651 = vector.broadcast %jit3A_649 : i32 to vector<16xi32>
      %select_n3A_652 = arith.select %le3A_647, %broadcast_in_dim3A_650, %broadcast_in_dim3A_651 : vector<16xi1>, vector<16xi32>
      %add3A_653 = arith.addi %add3A_641, %select_n3A_652 : vector<16xi32>
      %add3A_654 = arith.constant 3 : i32
      %add3A_655 = vector.broadcast %add3A_654 : i32 to vector<16xi32>
      %add3A_656 = arith.addi %shift_left3A_619, %add3A_655 : vector<16xi32>
      %sub3A_657 = arith.subi %add3A_656, %add3A_362 : vector<16xi32>
      %abs3A_658 = math.absi %sub3A_657 : vector<16xi32>
      %le3A_659 = arith.cmpi sle, %abs3A_658, %get3A_358 : vector<16xi32>
      %jit3A_660 = arith.constant 16777216 : i32
      %jit3A_661 = arith.constant 0 : i32
      %broadcast_in_dim3A_662 = vector.broadcast %jit3A_660 : i32 to vector<16xi32>
      %broadcast_in_dim3A_663 = vector.broadcast %jit3A_661 : i32 to vector<16xi32>
      %select_n3A_664 = arith.select %le3A_659, %broadcast_in_dim3A_662, %broadcast_in_dim3A_663 : vector<16xi1>, vector<16xi32>
      %add3A_665 = arith.addi %add3A_653, %select_n3A_664 : vector<16xi32>
      tpu.vector_store_idx %arg5[%broadcast_in_dim3A_376, %iota3A, %min3A_617], %add3A_665 : memref<2x16x1280xi32, #tpu.memory_space<vmem>>[vector<16xi32>, vector<16xi32>, vector<16xi32>], vector<16xi32>,
      %scan3A_666 = arith.constant 0 : i32
      scf.yield %scan3A_666 : i32
    }
    %scan3A_383 = arith.constant 34 : i32
    %mul3A_384 = arith.constant 10 : i32
    %mul3A_385 = arith.muli %add3A, %mul3A_384 : i32
    %add3A_386 = arith.constant 6 : i32
    %add3A_387 = arith.addi %mul3A_385, %add3A_386 : i32
    %mul3A_388 = arith.constant 16 : i32
    %mul3A_389 = arith.muli %add3A_387, %mul3A_388 : i32
    %dma_start3A_390 = arith.constant 0 : i32
    %dma_start3A_391 = arith.constant 0 : i32
    %dma_start3A_392 = arith.constant 0 : i32
    %dma_start3A_393 = tpu.memref_slice %arg5[%dma_start3A_390, %dma_start3A_391, %dma_start3A_392] : memref<2x16x1280xi32, #tpu.memory_space<vmem>> -> memref<1x16x1280xi32, #tpu.memory_space<vmem>>
    %dma_start3A_394 = tpu.memref_squeeze %dma_start3A_393 : memref<1x16x1280xi32, #tpu.memory_space<vmem>> -> memref<16x1280xi32, #tpu.memory_space<vmem>>
    %dma_start3A_395 = arith.constant 0 : i32
    %dma_start3A_396 = tpu.memref_slice %arg3[%mul3A_389, %dma_start3A_395] : memref<5120x1280xi32, #tpu.memory_space<hbm>> -> memref<16x1280xi32, #tpu.memory_space<hbm>>
    %dma_start3A_397 = arith.constant 0 : i32
    %dma_start3A_398 = tpu.memref_slice %arg3[%mul3A_389, %dma_start3A_397] : memref<5120x1280xi32, #tpu.memory_space<hbm>> -> memref<16x1280xi32, #tpu.memory_space<hbm>>
    %dma_start3A_399 = arith.constant 0 : i32
    %dma_start3A_400 = arith.constant 0 : i32
    %dma_start3A_401 = tpu.memref_slice %arg5[%dma_start3A_390, %dma_start3A_399, %dma_start3A_400] : memref<2x16x1280xi32, #tpu.memory_space<vmem>> -> memref<1x16x1280xi32, #tpu.memory_space<vmem>>
    %dma_start3A_402 = tpu.memref_squeeze %dma_start3A_401 : memref<1x16x1280xi32, #tpu.memory_space<vmem>> -> memref<16x1280xi32, #tpu.memory_space<vmem>>
    tpu.enqueue_dma source(%dma_start3A_402 : memref<16x1280xi32, #tpu.memory_space<vmem>>) target(%dma_start3A_398 : memref<16x1280xi32, #tpu.memory_space<hbm>>) target_semaphore(%arg6 : memref<!tpu.dma_semaphore, #tpu.memory_space<semaphore_mem>>)
    %dma_wait3A_403 = arith.constant 1 : i32
    %dma_wait3A_404 = arith.constant 0 : i32
    %dma_wait3A_405 = arith.constant 0 : i32
    %dma_wait3A_406 = tpu.memref_slice %arg5[%dma_wait3A_403, %dma_wait3A_404, %dma_wait3A_405] : memref<2x16x1280xi32, #tpu.memory_space<vmem>> -> memref<1x16x1280xi32, #tpu.memory_space<vmem>>
    %dma_wait3A_407 = tpu.memref_squeeze %dma_wait3A_406 : memref<1x16x1280xi32, #tpu.memory_space<vmem>> -> memref<16x1280xi32, #tpu.memory_space<vmem>>
    %dma_wait3A_408 = arith.constant 0 : i32
    %dma_wait3A_409 = tpu.memref_slice %arg3[%mul3A_328, %dma_wait3A_408] : memref<5120x1280xi32, #tpu.memory_space<hbm>> -> memref<16x1280xi32, #tpu.memory_space<hbm>>
    %dma_wait3A_410 = arith.constant 0 : i32
    %dma_wait3A_411 = tpu.memref_slice %arg3[%mul3A_328, %dma_wait3A_410] : memref<5120x1280xi32, #tpu.memory_space<hbm>> -> memref<16x1280xi32, #tpu.memory_space<hbm>>
    %dma_wait3A_412 = arith.constant 0 : i32
    %dma_wait3A_413 = arith.constant 0 : i32
    %dma_wait3A_414 = tpu.memref_slice %arg5[%dma_wait3A_403, %dma_wait3A_412, %dma_wait3A_413] : memref<2x16x1280xi32, #tpu.memory_space<vmem>> -> memref<1x16x1280xi32, #tpu.memory_space<vmem>>
    %dma_wait3A_415 = tpu.memref_squeeze %dma_wait3A_414 : memref<1x16x1280xi32, #tpu.memory_space<vmem>> -> memref<16x1280xi32, #tpu.memory_space<vmem>>
    tpu.wait_dma2 semaphore(%arg7 : memref<!tpu.dma_semaphore, #tpu.memory_space<semaphore_mem>>) src(%dma_wait3A_415 : memref<16x1280xi32, #tpu.memory_space<vmem>>) dst(%dma_wait3A_411 : memref<16x1280xi32, #tpu.memory_space<hbm>>)
    %add3A_416 = arith.constant 112 : i32
    %add3A_417 = arith.addi %mul3A_2, %add3A_416 : i32
    %get3A_418 = arith.index_cast %add3A_417 : i32 to index
    %get3A_419 = tpu.vector_load %arg4[%get3A_418] {strides = array<i32>} : memref<5120xi32, #tpu.memory_space<vmem>>, vector<16xi32>,
    %add3A_420 = arith.constant 112 : i32
    %add3A_421 = arith.addi %mul3A_2, %add3A_420 : i32
    %add3A_422 = vector.broadcast %add3A_421 : i32 to vector<16xi32>
    %add3A_423 = arith.addi %add3A_422, %iota3A : vector<16xi32>
    %sub3A_424 = arith.constant 49 : i32
    %sub3A_425 = vector.broadcast %sub3A_424 : i32 to vector<16xi32>
    %sub3A_426 = arith.subi %add3A_423, %sub3A_425 : vector<16xi32>
    %shift_right_arithmetic3A_427 = arith.constant 2 : i32
    %shift_right_arithmetic3A_428 = vector.broadcast %shift_right_arithmetic3A_427 : i32 to vector<16xi32>
    %shift_right_arithmetic3A_429 = arith.shrsi %sub3A_426, %shift_right_arithmetic3A_428 : vector<16xi32>
    %sub3A_430 = arith.constant 8 : i32
    %sub3A_431 = vector.broadcast %sub3A_430 : i32 to vector<16xi32>
    %sub3A_432 = arith.subi %shift_right_arithmetic3A_429, %sub3A_431 : vector<16xi32>
    %max3A_433 = arith.constant 0 : i32
    %max3A_434 = vector.broadcast %max3A_433 : i32 to vector<16xi32>
    %max3A_435 = arith.maxsi %sub3A_432, %max3A_434 : vector<16xi32>
    %broadcast_in_dim3A_436 = arith.constant 1 : i32
    %broadcast_in_dim3A_437 = vector.broadcast %broadcast_in_dim3A_436 : i32 to vector<16xi32>
    %scan3A_438 = arith.constant 0 : i32
    %scan3A_439 = arith.constant 0 : i32
    %scan3A_440 = arith.constant 34 : i32
    %scan3A_441 = arith.addi %scan3A_439, %scan3A_440 : i32
    %scan3A_442 = arith.constant 1 : i32
    %scan3A_443 = scf.for %scan3A_612 = %scan3A_439 to %scan3A_441 step %scan3A_442 iter_args(%scan3A_613 = %scan3A_438) -> (i32)  : i32 {
      %add3A_614 = vector.broadcast %scan3A_612 : i32 to vector<16xi32>
      %add3A_615 = arith.addi %max3A_435, %add3A_614 : vector<16xi32>
      %min3A = arith.constant 1279 : i32
      %min3A_616 = vector.broadcast %min3A : i32 to vector<16xi32>
      %min3A_617 = arith.minsi %add3A_615, %min3A_616 : vector<16xi32>
      %shift_left3A = arith.constant 2 : i32
      %shift_left3A_618 = vector.broadcast %shift_left3A : i32 to vector<16xi32>
      %shift_left3A_619 = arith.shli %min3A_617, %shift_left3A_618 : vector<16xi32>
      %broadcast_in_dim3A_620 = arith.constant 0 : i32
      %broadcast_in_dim3A_621 = vector.broadcast %broadcast_in_dim3A_620 : i32 to vector<16xi32>
      %add3A_622 = arith.constant 0 : i32
      %add3A_623 = vector.broadcast %add3A_622 : i32 to vector<16xi32>
      %add3A_624 = arith.addi %shift_left3A_619, %add3A_623 : vector<16xi32>
      %sub3A_625 = arith.subi %add3A_624, %add3A_423 : vector<16xi32>
      %abs3A = math.absi %sub3A_625 : vector<16xi32>
      %le3A = arith.cmpi sle, %abs3A, %get3A_419 : vector<16xi32>
      %jit3A = arith.constant 1 : i32
      %jit3A_626 = arith.constant 0 : i32
      %broadcast_in_dim3A_627 = vector.broadcast %jit3A : i32 to vector<16xi32>
      %broadcast_in_dim3A_628 = vector.broadcast %jit3A_626 : i32 to vector<16xi32>
      %select_n3A = arith.select %le3A, %broadcast_in_dim3A_627, %broadcast_in_dim3A_628 : vector<16xi1>, vector<16xi32>
      %add3A_629 = arith.addi %broadcast_in_dim3A_621, %select_n3A : vector<16xi32>
      %add3A_630 = arith.constant 1 : i32
      %add3A_631 = vector.broadcast %add3A_630 : i32 to vector<16xi32>
      %add3A_632 = arith.addi %shift_left3A_619, %add3A_631 : vector<16xi32>
      %sub3A_633 = arith.subi %add3A_632, %add3A_423 : vector<16xi32>
      %abs3A_634 = math.absi %sub3A_633 : vector<16xi32>
      %le3A_635 = arith.cmpi sle, %abs3A_634, %get3A_419 : vector<16xi32>
      %jit3A_636 = arith.constant 256 : i32
      %jit3A_637 = arith.constant 0 : i32
      %broadcast_in_dim3A_638 = vector.broadcast %jit3A_636 : i32 to vector<16xi32>
      %broadcast_in_dim3A_639 = vector.broadcast %jit3A_637 : i32 to vector<16xi32>
      %select_n3A_640 = arith.select %le3A_635, %broadcast_in_dim3A_638, %broadcast_in_dim3A_639 : vector<16xi1>, vector<16xi32>
      %add3A_641 = arith.addi %add3A_629, %select_n3A_640 : vector<16xi32>
      %add3A_642 = arith.constant 2 : i32
      %add3A_643 = vector.broadcast %add3A_642 : i32 to vector<16xi32>
      %add3A_644 = arith.addi %shift_left3A_619, %add3A_643 : vector<16xi32>
      %sub3A_645 = arith.subi %add3A_644, %add3A_423 : vector<16xi32>
      %abs3A_646 = math.absi %sub3A_645 : vector<16xi32>
      %le3A_647 = arith.cmpi sle, %abs3A_646, %get3A_419 : vector<16xi32>
      %jit3A_648 = arith.constant 65536 : i32
      %jit3A_649 = arith.constant 0 : i32
      %broadcast_in_dim3A_650 = vector.broadcast %jit3A_648 : i32 to vector<16xi32>
      %broadcast_in_dim3A_651 = vector.broadcast %jit3A_649 : i32 to vector<16xi32>
      %select_n3A_652 = arith.select %le3A_647, %broadcast_in_dim3A_650, %broadcast_in_dim3A_651 : vector<16xi1>, vector<16xi32>
      %add3A_653 = arith.addi %add3A_641, %select_n3A_652 : vector<16xi32>
      %add3A_654 = arith.constant 3 : i32
      %add3A_655 = vector.broadcast %add3A_654 : i32 to vector<16xi32>
      %add3A_656 = arith.addi %shift_left3A_619, %add3A_655 : vector<16xi32>
      %sub3A_657 = arith.subi %add3A_656, %add3A_423 : vector<16xi32>
      %abs3A_658 = math.absi %sub3A_657 : vector<16xi32>
      %le3A_659 = arith.cmpi sle, %abs3A_658, %get3A_419 : vector<16xi32>
      %jit3A_660 = arith.constant 16777216 : i32
      %jit3A_661 = arith.constant 0 : i32
      %broadcast_in_dim3A_662 = vector.broadcast %jit3A_660 : i32 to vector<16xi32>
      %broadcast_in_dim3A_663 = vector.broadcast %jit3A_661 : i32 to vector<16xi32>
      %select_n3A_664 = arith.select %le3A_659, %broadcast_in_dim3A_662, %broadcast_in_dim3A_663 : vector<16xi1>, vector<16xi32>
      %add3A_665 = arith.addi %add3A_653, %select_n3A_664 : vector<16xi32>
      tpu.vector_store_idx %arg5[%broadcast_in_dim3A_437, %iota3A, %min3A_617], %add3A_665 : memref<2x16x1280xi32, #tpu.memory_space<vmem>>[vector<16xi32>, vector<16xi32>, vector<16xi32>], vector<16xi32>,
      %scan3A_666 = arith.constant 0 : i32
      scf.yield %scan3A_666 : i32
    }
    %scan3A_444 = arith.constant 34 : i32
    %mul3A_445 = arith.constant 10 : i32
    %mul3A_446 = arith.muli %add3A, %mul3A_445 : i32
    %add3A_447 = arith.constant 7 : i32
    %add3A_448 = arith.addi %mul3A_446, %add3A_447 : i32
    %mul3A_449 = arith.constant 16 : i32
    %mul3A_450 = arith.muli %add3A_448, %mul3A_449 : i32
    %dma_start3A_451 = arith.constant 1 : i32
    %dma_start3A_452 = arith.constant 0 : i32
    %dma_start3A_453 = arith.constant 0 : i32
    %dma_start3A_454 = tpu.memref_slice %arg5[%dma_start3A_451, %dma_start3A_452, %dma_start3A_453] : memref<2x16x1280xi32, #tpu.memory_space<vmem>> -> memref<1x16x1280xi32, #tpu.memory_space<vmem>>
    %dma_start3A_455 = tpu.memref_squeeze %dma_start3A_454 : memref<1x16x1280xi32, #tpu.memory_space<vmem>> -> memref<16x1280xi32, #tpu.memory_space<vmem>>
    %dma_start3A_456 = arith.constant 0 : i32
    %dma_start3A_457 = tpu.memref_slice %arg3[%mul3A_450, %dma_start3A_456] : memref<5120x1280xi32, #tpu.memory_space<hbm>> -> memref<16x1280xi32, #tpu.memory_space<hbm>>
    %dma_start3A_458 = arith.constant 0 : i32
    %dma_start3A_459 = tpu.memref_slice %arg3[%mul3A_450, %dma_start3A_458] : memref<5120x1280xi32, #tpu.memory_space<hbm>> -> memref<16x1280xi32, #tpu.memory_space<hbm>>
    %dma_start3A_460 = arith.constant 0 : i32
    %dma_start3A_461 = arith.constant 0 : i32
    %dma_start3A_462 = tpu.memref_slice %arg5[%dma_start3A_451, %dma_start3A_460, %dma_start3A_461] : memref<2x16x1280xi32, #tpu.memory_space<vmem>> -> memref<1x16x1280xi32, #tpu.memory_space<vmem>>
    %dma_start3A_463 = tpu.memref_squeeze %dma_start3A_462 : memref<1x16x1280xi32, #tpu.memory_space<vmem>> -> memref<16x1280xi32, #tpu.memory_space<vmem>>
    tpu.enqueue_dma source(%dma_start3A_463 : memref<16x1280xi32, #tpu.memory_space<vmem>>) target(%dma_start3A_459 : memref<16x1280xi32, #tpu.memory_space<hbm>>) target_semaphore(%arg7 : memref<!tpu.dma_semaphore, #tpu.memory_space<semaphore_mem>>)
    %dma_wait3A_464 = arith.constant 0 : i32
    %dma_wait3A_465 = arith.constant 0 : i32
    %dma_wait3A_466 = arith.constant 0 : i32
    %dma_wait3A_467 = tpu.memref_slice %arg5[%dma_wait3A_464, %dma_wait3A_465, %dma_wait3A_466] : memref<2x16x1280xi32, #tpu.memory_space<vmem>> -> memref<1x16x1280xi32, #tpu.memory_space<vmem>>
    %dma_wait3A_468 = tpu.memref_squeeze %dma_wait3A_467 : memref<1x16x1280xi32, #tpu.memory_space<vmem>> -> memref<16x1280xi32, #tpu.memory_space<vmem>>
    %dma_wait3A_469 = arith.constant 0 : i32
    %dma_wait3A_470 = tpu.memref_slice %arg3[%mul3A_389, %dma_wait3A_469] : memref<5120x1280xi32, #tpu.memory_space<hbm>> -> memref<16x1280xi32, #tpu.memory_space<hbm>>
    %dma_wait3A_471 = arith.constant 0 : i32
    %dma_wait3A_472 = tpu.memref_slice %arg3[%mul3A_389, %dma_wait3A_471] : memref<5120x1280xi32, #tpu.memory_space<hbm>> -> memref<16x1280xi32, #tpu.memory_space<hbm>>
    %dma_wait3A_473 = arith.constant 0 : i32
    %dma_wait3A_474 = arith.constant 0 : i32
    %dma_wait3A_475 = tpu.memref_slice %arg5[%dma_wait3A_464, %dma_wait3A_473, %dma_wait3A_474] : memref<2x16x1280xi32, #tpu.memory_space<vmem>> -> memref<1x16x1280xi32, #tpu.memory_space<vmem>>
    %dma_wait3A_476 = tpu.memref_squeeze %dma_wait3A_475 : memref<1x16x1280xi32, #tpu.memory_space<vmem>> -> memref<16x1280xi32, #tpu.memory_space<vmem>>
    tpu.wait_dma2 semaphore(%arg6 : memref<!tpu.dma_semaphore, #tpu.memory_space<semaphore_mem>>) src(%dma_wait3A_476 : memref<16x1280xi32, #tpu.memory_space<vmem>>) dst(%dma_wait3A_472 : memref<16x1280xi32, #tpu.memory_space<hbm>>)
    %add3A_477 = arith.constant 128 : i32
    %add3A_478 = arith.addi %mul3A_2, %add3A_477 : i32
    %get3A_479 = arith.index_cast %add3A_478 : i32 to index
    %get3A_480 = tpu.vector_load %arg4[%get3A_479] {strides = array<i32>} : memref<5120xi32, #tpu.memory_space<vmem>>, vector<16xi32>,
    %add3A_481 = arith.constant 128 : i32
    %add3A_482 = arith.addi %mul3A_2, %add3A_481 : i32
    %add3A_483 = vector.broadcast %add3A_482 : i32 to vector<16xi32>
    %add3A_484 = arith.addi %add3A_483, %iota3A : vector<16xi32>
    %sub3A_485 = arith.constant 49 : i32
    %sub3A_486 = vector.broadcast %sub3A_485 : i32 to vector<16xi32>
    %sub3A_487 = arith.subi %add3A_484, %sub3A_486 : vector<16xi32>
    %shift_right_arithmetic3A_488 = arith.constant 2 : i32
    %shift_right_arithmetic3A_489 = vector.broadcast %shift_right_arithmetic3A_488 : i32 to vector<16xi32>
    %shift_right_arithmetic3A_490 = arith.shrsi %sub3A_487, %shift_right_arithmetic3A_489 : vector<16xi32>
    %sub3A_491 = arith.constant 8 : i32
    %sub3A_492 = vector.broadcast %sub3A_491 : i32 to vector<16xi32>
    %sub3A_493 = arith.subi %shift_right_arithmetic3A_490, %sub3A_492 : vector<16xi32>
    %max3A_494 = arith.constant 0 : i32
    %max3A_495 = vector.broadcast %max3A_494 : i32 to vector<16xi32>
    %max3A_496 = arith.maxsi %sub3A_493, %max3A_495 : vector<16xi32>
    %broadcast_in_dim3A_497 = arith.constant 0 : i32
    %broadcast_in_dim3A_498 = vector.broadcast %broadcast_in_dim3A_497 : i32 to vector<16xi32>
    %scan3A_499 = arith.constant 0 : i32
    %scan3A_500 = arith.constant 0 : i32
    %scan3A_501 = arith.constant 34 : i32
    %scan3A_502 = arith.addi %scan3A_500, %scan3A_501 : i32
    %scan3A_503 = arith.constant 1 : i32
    %scan3A_504 = scf.for %scan3A_612 = %scan3A_500 to %scan3A_502 step %scan3A_503 iter_args(%scan3A_613 = %scan3A_499) -> (i32)  : i32 {
      %add3A_614 = vector.broadcast %scan3A_612 : i32 to vector<16xi32>
      %add3A_615 = arith.addi %max3A_496, %add3A_614 : vector<16xi32>
      %min3A = arith.constant 1279 : i32
      %min3A_616 = vector.broadcast %min3A : i32 to vector<16xi32>
      %min3A_617 = arith.minsi %add3A_615, %min3A_616 : vector<16xi32>
      %shift_left3A = arith.constant 2 : i32
      %shift_left3A_618 = vector.broadcast %shift_left3A : i32 to vector<16xi32>
      %shift_left3A_619 = arith.shli %min3A_617, %shift_left3A_618 : vector<16xi32>
      %broadcast_in_dim3A_620 = arith.constant 0 : i32
      %broadcast_in_dim3A_621 = vector.broadcast %broadcast_in_dim3A_620 : i32 to vector<16xi32>
      %add3A_622 = arith.constant 0 : i32
      %add3A_623 = vector.broadcast %add3A_622 : i32 to vector<16xi32>
      %add3A_624 = arith.addi %shift_left3A_619, %add3A_623 : vector<16xi32>
      %sub3A_625 = arith.subi %add3A_624, %add3A_484 : vector<16xi32>
      %abs3A = math.absi %sub3A_625 : vector<16xi32>
      %le3A = arith.cmpi sle, %abs3A, %get3A_480 : vector<16xi32>
      %jit3A = arith.constant 1 : i32
      %jit3A_626 = arith.constant 0 : i32
      %broadcast_in_dim3A_627 = vector.broadcast %jit3A : i32 to vector<16xi32>
      %broadcast_in_dim3A_628 = vector.broadcast %jit3A_626 : i32 to vector<16xi32>
      %select_n3A = arith.select %le3A, %broadcast_in_dim3A_627, %broadcast_in_dim3A_628 : vector<16xi1>, vector<16xi32>
      %add3A_629 = arith.addi %broadcast_in_dim3A_621, %select_n3A : vector<16xi32>
      %add3A_630 = arith.constant 1 : i32
      %add3A_631 = vector.broadcast %add3A_630 : i32 to vector<16xi32>
      %add3A_632 = arith.addi %shift_left3A_619, %add3A_631 : vector<16xi32>
      %sub3A_633 = arith.subi %add3A_632, %add3A_484 : vector<16xi32>
      %abs3A_634 = math.absi %sub3A_633 : vector<16xi32>
      %le3A_635 = arith.cmpi sle, %abs3A_634, %get3A_480 : vector<16xi32>
      %jit3A_636 = arith.constant 256 : i32
      %jit3A_637 = arith.constant 0 : i32
      %broadcast_in_dim3A_638 = vector.broadcast %jit3A_636 : i32 to vector<16xi32>
      %broadcast_in_dim3A_639 = vector.broadcast %jit3A_637 : i32 to vector<16xi32>
      %select_n3A_640 = arith.select %le3A_635, %broadcast_in_dim3A_638, %broadcast_in_dim3A_639 : vector<16xi1>, vector<16xi32>
      %add3A_641 = arith.addi %add3A_629, %select_n3A_640 : vector<16xi32>
      %add3A_642 = arith.constant 2 : i32
      %add3A_643 = vector.broadcast %add3A_642 : i32 to vector<16xi32>
      %add3A_644 = arith.addi %shift_left3A_619, %add3A_643 : vector<16xi32>
      %sub3A_645 = arith.subi %add3A_644, %add3A_484 : vector<16xi32>
      %abs3A_646 = math.absi %sub3A_645 : vector<16xi32>
      %le3A_647 = arith.cmpi sle, %abs3A_646, %get3A_480 : vector<16xi32>
      %jit3A_648 = arith.constant 65536 : i32
      %jit3A_649 = arith.constant 0 : i32
      %broadcast_in_dim3A_650 = vector.broadcast %jit3A_648 : i32 to vector<16xi32>
      %broadcast_in_dim3A_651 = vector.broadcast %jit3A_649 : i32 to vector<16xi32>
      %select_n3A_652 = arith.select %le3A_647, %broadcast_in_dim3A_650, %broadcast_in_dim3A_651 : vector<16xi1>, vector<16xi32>
      %add3A_653 = arith.addi %add3A_641, %select_n3A_652 : vector<16xi32>
      %add3A_654 = arith.constant 3 : i32
      %add3A_655 = vector.broadcast %add3A_654 : i32 to vector<16xi32>
      %add3A_656 = arith.addi %shift_left3A_619, %add3A_655 : vector<16xi32>
      %sub3A_657 = arith.subi %add3A_656, %add3A_484 : vector<16xi32>
      %abs3A_658 = math.absi %sub3A_657 : vector<16xi32>
      %le3A_659 = arith.cmpi sle, %abs3A_658, %get3A_480 : vector<16xi32>
      %jit3A_660 = arith.constant 16777216 : i32
      %jit3A_661 = arith.constant 0 : i32
      %broadcast_in_dim3A_662 = vector.broadcast %jit3A_660 : i32 to vector<16xi32>
      %broadcast_in_dim3A_663 = vector.broadcast %jit3A_661 : i32 to vector<16xi32>
      %select_n3A_664 = arith.select %le3A_659, %broadcast_in_dim3A_662, %broadcast_in_dim3A_663 : vector<16xi1>, vector<16xi32>
      %add3A_665 = arith.addi %add3A_653, %select_n3A_664 : vector<16xi32>
      tpu.vector_store_idx %arg5[%broadcast_in_dim3A_498, %iota3A, %min3A_617], %add3A_665 : memref<2x16x1280xi32, #tpu.memory_space<vmem>>[vector<16xi32>, vector<16xi32>, vector<16xi32>], vector<16xi32>,
      %scan3A_666 = arith.constant 0 : i32
      scf.yield %scan3A_666 : i32
    }
    %scan3A_505 = arith.constant 34 : i32
    %mul3A_506 = arith.constant 10 : i32
    %mul3A_507 = arith.muli %add3A, %mul3A_506 : i32
    %add3A_508 = arith.constant 8 : i32
    %add3A_509 = arith.addi %mul3A_507, %add3A_508 : i32
    %mul3A_510 = arith.constant 16 : i32
    %mul3A_511 = arith.muli %add3A_509, %mul3A_510 : i32
    %dma_start3A_512 = arith.constant 0 : i32
    %dma_start3A_513 = arith.constant 0 : i32
    %dma_start3A_514 = arith.constant 0 : i32
    %dma_start3A_515 = tpu.memref_slice %arg5[%dma_start3A_512, %dma_start3A_513, %dma_start3A_514] : memref<2x16x1280xi32, #tpu.memory_space<vmem>> -> memref<1x16x1280xi32, #tpu.memory_space<vmem>>
    %dma_start3A_516 = tpu.memref_squeeze %dma_start3A_515 : memref<1x16x1280xi32, #tpu.memory_space<vmem>> -> memref<16x1280xi32, #tpu.memory_space<vmem>>
    %dma_start3A_517 = arith.constant 0 : i32
    %dma_start3A_518 = tpu.memref_slice %arg3[%mul3A_511, %dma_start3A_517] : memref<5120x1280xi32, #tpu.memory_space<hbm>> -> memref<16x1280xi32, #tpu.memory_space<hbm>>
    %dma_start3A_519 = arith.constant 0 : i32
    %dma_start3A_520 = tpu.memref_slice %arg3[%mul3A_511, %dma_start3A_519] : memref<5120x1280xi32, #tpu.memory_space<hbm>> -> memref<16x1280xi32, #tpu.memory_space<hbm>>
    %dma_start3A_521 = arith.constant 0 : i32
    %dma_start3A_522 = arith.constant 0 : i32
    %dma_start3A_523 = tpu.memref_slice %arg5[%dma_start3A_512, %dma_start3A_521, %dma_start3A_522] : memref<2x16x1280xi32, #tpu.memory_space<vmem>> -> memref<1x16x1280xi32, #tpu.memory_space<vmem>>
    %dma_start3A_524 = tpu.memref_squeeze %dma_start3A_523 : memref<1x16x1280xi32, #tpu.memory_space<vmem>> -> memref<16x1280xi32, #tpu.memory_space<vmem>>
    tpu.enqueue_dma source(%dma_start3A_524 : memref<16x1280xi32, #tpu.memory_space<vmem>>) target(%dma_start3A_520 : memref<16x1280xi32, #tpu.memory_space<hbm>>) target_semaphore(%arg6 : memref<!tpu.dma_semaphore, #tpu.memory_space<semaphore_mem>>)
    %dma_wait3A_525 = arith.constant 1 : i32
    %dma_wait3A_526 = arith.constant 0 : i32
    %dma_wait3A_527 = arith.constant 0 : i32
    %dma_wait3A_528 = tpu.memref_slice %arg5[%dma_wait3A_525, %dma_wait3A_526, %dma_wait3A_527] : memref<2x16x1280xi32, #tpu.memory_space<vmem>> -> memref<1x16x1280xi32, #tpu.memory_space<vmem>>
    %dma_wait3A_529 = tpu.memref_squeeze %dma_wait3A_528 : memref<1x16x1280xi32, #tpu.memory_space<vmem>> -> memref<16x1280xi32, #tpu.memory_space<vmem>>
    %dma_wait3A_530 = arith.constant 0 : i32
    %dma_wait3A_531 = tpu.memref_slice %arg3[%mul3A_450, %dma_wait3A_530] : memref<5120x1280xi32, #tpu.memory_space<hbm>> -> memref<16x1280xi32, #tpu.memory_space<hbm>>
    %dma_wait3A_532 = arith.constant 0 : i32
    %dma_wait3A_533 = tpu.memref_slice %arg3[%mul3A_450, %dma_wait3A_532] : memref<5120x1280xi32, #tpu.memory_space<hbm>> -> memref<16x1280xi32, #tpu.memory_space<hbm>>
    %dma_wait3A_534 = arith.constant 0 : i32
    %dma_wait3A_535 = arith.constant 0 : i32
    %dma_wait3A_536 = tpu.memref_slice %arg5[%dma_wait3A_525, %dma_wait3A_534, %dma_wait3A_535] : memref<2x16x1280xi32, #tpu.memory_space<vmem>> -> memref<1x16x1280xi32, #tpu.memory_space<vmem>>
    %dma_wait3A_537 = tpu.memref_squeeze %dma_wait3A_536 : memref<1x16x1280xi32, #tpu.memory_space<vmem>> -> memref<16x1280xi32, #tpu.memory_space<vmem>>
    tpu.wait_dma2 semaphore(%arg7 : memref<!tpu.dma_semaphore, #tpu.memory_space<semaphore_mem>>) src(%dma_wait3A_537 : memref<16x1280xi32, #tpu.memory_space<vmem>>) dst(%dma_wait3A_533 : memref<16x1280xi32, #tpu.memory_space<hbm>>)
    %add3A_538 = arith.constant 144 : i32
    %add3A_539 = arith.addi %mul3A_2, %add3A_538 : i32
    %get3A_540 = arith.index_cast %add3A_539 : i32 to index
    %get3A_541 = tpu.vector_load %arg4[%get3A_540] {strides = array<i32>} : memref<5120xi32, #tpu.memory_space<vmem>>, vector<16xi32>,
    %add3A_542 = arith.constant 144 : i32
    %add3A_543 = arith.addi %mul3A_2, %add3A_542 : i32
    %add3A_544 = vector.broadcast %add3A_543 : i32 to vector<16xi32>
    %add3A_545 = arith.addi %add3A_544, %iota3A : vector<16xi32>
    %sub3A_546 = arith.constant 49 : i32
    %sub3A_547 = vector.broadcast %sub3A_546 : i32 to vector<16xi32>
    %sub3A_548 = arith.subi %add3A_545, %sub3A_547 : vector<16xi32>
    %shift_right_arithmetic3A_549 = arith.constant 2 : i32
    %shift_right_arithmetic3A_550 = vector.broadcast %shift_right_arithmetic3A_549 : i32 to vector<16xi32>
    %shift_right_arithmetic3A_551 = arith.shrsi %sub3A_548, %shift_right_arithmetic3A_550 : vector<16xi32>
    %sub3A_552 = arith.constant 8 : i32
    %sub3A_553 = vector.broadcast %sub3A_552 : i32 to vector<16xi32>
    %sub3A_554 = arith.subi %shift_right_arithmetic3A_551, %sub3A_553 : vector<16xi32>
    %max3A_555 = arith.constant 0 : i32
    %max3A_556 = vector.broadcast %max3A_555 : i32 to vector<16xi32>
    %max3A_557 = arith.maxsi %sub3A_554, %max3A_556 : vector<16xi32>
    %broadcast_in_dim3A_558 = arith.constant 1 : i32
    %broadcast_in_dim3A_559 = vector.broadcast %broadcast_in_dim3A_558 : i32 to vector<16xi32>
    %scan3A_560 = arith.constant 0 : i32
    %scan3A_561 = arith.constant 0 : i32
    %scan3A_562 = arith.constant 34 : i32
    %scan3A_563 = arith.addi %scan3A_561, %scan3A_562 : i32
    %scan3A_564 = arith.constant 1 : i32
    %scan3A_565 = scf.for %scan3A_612 = %scan3A_561 to %scan3A_563 step %scan3A_564 iter_args(%scan3A_613 = %scan3A_560) -> (i32)  : i32 {
      %add3A_614 = vector.broadcast %scan3A_612 : i32 to vector<16xi32>
      %add3A_615 = arith.addi %max3A_557, %add3A_614 : vector<16xi32>
      %min3A = arith.constant 1279 : i32
      %min3A_616 = vector.broadcast %min3A : i32 to vector<16xi32>
      %min3A_617 = arith.minsi %add3A_615, %min3A_616 : vector<16xi32>
      %shift_left3A = arith.constant 2 : i32
      %shift_left3A_618 = vector.broadcast %shift_left3A : i32 to vector<16xi32>
      %shift_left3A_619 = arith.shli %min3A_617, %shift_left3A_618 : vector<16xi32>
      %broadcast_in_dim3A_620 = arith.constant 0 : i32
      %broadcast_in_dim3A_621 = vector.broadcast %broadcast_in_dim3A_620 : i32 to vector<16xi32>
      %add3A_622 = arith.constant 0 : i32
      %add3A_623 = vector.broadcast %add3A_622 : i32 to vector<16xi32>
      %add3A_624 = arith.addi %shift_left3A_619, %add3A_623 : vector<16xi32>
      %sub3A_625 = arith.subi %add3A_624, %add3A_545 : vector<16xi32>
      %abs3A = math.absi %sub3A_625 : vector<16xi32>
      %le3A = arith.cmpi sle, %abs3A, %get3A_541 : vector<16xi32>
      %jit3A = arith.constant 1 : i32
      %jit3A_626 = arith.constant 0 : i32
      %broadcast_in_dim3A_627 = vector.broadcast %jit3A : i32 to vector<16xi32>
      %broadcast_in_dim3A_628 = vector.broadcast %jit3A_626 : i32 to vector<16xi32>
      %select_n3A = arith.select %le3A, %broadcast_in_dim3A_627, %broadcast_in_dim3A_628 : vector<16xi1>, vector<16xi32>
      %add3A_629 = arith.addi %broadcast_in_dim3A_621, %select_n3A : vector<16xi32>
      %add3A_630 = arith.constant 1 : i32
      %add3A_631 = vector.broadcast %add3A_630 : i32 to vector<16xi32>
      %add3A_632 = arith.addi %shift_left3A_619, %add3A_631 : vector<16xi32>
      %sub3A_633 = arith.subi %add3A_632, %add3A_545 : vector<16xi32>
      %abs3A_634 = math.absi %sub3A_633 : vector<16xi32>
      %le3A_635 = arith.cmpi sle, %abs3A_634, %get3A_541 : vector<16xi32>
      %jit3A_636 = arith.constant 256 : i32
      %jit3A_637 = arith.constant 0 : i32
      %broadcast_in_dim3A_638 = vector.broadcast %jit3A_636 : i32 to vector<16xi32>
      %broadcast_in_dim3A_639 = vector.broadcast %jit3A_637 : i32 to vector<16xi32>
      %select_n3A_640 = arith.select %le3A_635, %broadcast_in_dim3A_638, %broadcast_in_dim3A_639 : vector<16xi1>, vector<16xi32>
      %add3A_641 = arith.addi %add3A_629, %select_n3A_640 : vector<16xi32>
      %add3A_642 = arith.constant 2 : i32
      %add3A_643 = vector.broadcast %add3A_642 : i32 to vector<16xi32>
      %add3A_644 = arith.addi %shift_left3A_619, %add3A_643 : vector<16xi32>
      %sub3A_645 = arith.subi %add3A_644, %add3A_545 : vector<16xi32>
      %abs3A_646 = math.absi %sub3A_645 : vector<16xi32>
      %le3A_647 = arith.cmpi sle, %abs3A_646, %get3A_541 : vector<16xi32>
      %jit3A_648 = arith.constant 65536 : i32
      %jit3A_649 = arith.constant 0 : i32
      %broadcast_in_dim3A_650 = vector.broadcast %jit3A_648 : i32 to vector<16xi32>
      %broadcast_in_dim3A_651 = vector.broadcast %jit3A_649 : i32 to vector<16xi32>
      %select_n3A_652 = arith.select %le3A_647, %broadcast_in_dim3A_650, %broadcast_in_dim3A_651 : vector<16xi1>, vector<16xi32>
      %add3A_653 = arith.addi %add3A_641, %select_n3A_652 : vector<16xi32>
      %add3A_654 = arith.constant 3 : i32
      %add3A_655 = vector.broadcast %add3A_654 : i32 to vector<16xi32>
      %add3A_656 = arith.addi %shift_left3A_619, %add3A_655 : vector<16xi32>
      %sub3A_657 = arith.subi %add3A_656, %add3A_545 : vector<16xi32>
      %abs3A_658 = math.absi %sub3A_657 : vector<16xi32>
      %le3A_659 = arith.cmpi sle, %abs3A_658, %get3A_541 : vector<16xi32>
      %jit3A_660 = arith.constant 16777216 : i32
      %jit3A_661 = arith.constant 0 : i32
      %broadcast_in_dim3A_662 = vector.broadcast %jit3A_660 : i32 to vector<16xi32>
      %broadcast_in_dim3A_663 = vector.broadcast %jit3A_661 : i32 to vector<16xi32>
      %select_n3A_664 = arith.select %le3A_659, %broadcast_in_dim3A_662, %broadcast_in_dim3A_663 : vector<16xi1>, vector<16xi32>
      %add3A_665 = arith.addi %add3A_653, %select_n3A_664 : vector<16xi32>
      tpu.vector_store_idx %arg5[%broadcast_in_dim3A_559, %iota3A, %min3A_617], %add3A_665 : memref<2x16x1280xi32, #tpu.memory_space<vmem>>[vector<16xi32>, vector<16xi32>, vector<16xi32>], vector<16xi32>,
      %scan3A_666 = arith.constant 0 : i32
      scf.yield %scan3A_666 : i32
    }
    %scan3A_566 = arith.constant 34 : i32
    %mul3A_567 = arith.constant 10 : i32
    %mul3A_568 = arith.muli %add3A, %mul3A_567 : i32
    %add3A_569 = arith.constant 9 : i32
    %add3A_570 = arith.addi %mul3A_568, %add3A_569 : i32
    %mul3A_571 = arith.constant 16 : i32
    %mul3A_572 = arith.muli %add3A_570, %mul3A_571 : i32
    %dma_start3A_573 = arith.constant 1 : i32
    %dma_start3A_574 = arith.constant 0 : i32
    %dma_start3A_575 = arith.constant 0 : i32
    %dma_start3A_576 = tpu.memref_slice %arg5[%dma_start3A_573, %dma_start3A_574, %dma_start3A_575] : memref<2x16x1280xi32, #tpu.memory_space<vmem>> -> memref<1x16x1280xi32, #tpu.memory_space<vmem>>
    %dma_start3A_577 = tpu.memref_squeeze %dma_start3A_576 : memref<1x16x1280xi32, #tpu.memory_space<vmem>> -> memref<16x1280xi32, #tpu.memory_space<vmem>>
    %dma_start3A_578 = arith.constant 0 : i32
    %dma_start3A_579 = tpu.memref_slice %arg3[%mul3A_572, %dma_start3A_578] : memref<5120x1280xi32, #tpu.memory_space<hbm>> -> memref<16x1280xi32, #tpu.memory_space<hbm>>
    %dma_start3A_580 = arith.constant 0 : i32
    %dma_start3A_581 = tpu.memref_slice %arg3[%mul3A_572, %dma_start3A_580] : memref<5120x1280xi32, #tpu.memory_space<hbm>> -> memref<16x1280xi32, #tpu.memory_space<hbm>>
    %dma_start3A_582 = arith.constant 0 : i32
    %dma_start3A_583 = arith.constant 0 : i32
    %dma_start3A_584 = tpu.memref_slice %arg5[%dma_start3A_573, %dma_start3A_582, %dma_start3A_583] : memref<2x16x1280xi32, #tpu.memory_space<vmem>> -> memref<1x16x1280xi32, #tpu.memory_space<vmem>>
    %dma_start3A_585 = tpu.memref_squeeze %dma_start3A_584 : memref<1x16x1280xi32, #tpu.memory_space<vmem>> -> memref<16x1280xi32, #tpu.memory_space<vmem>>
    tpu.enqueue_dma source(%dma_start3A_585 : memref<16x1280xi32, #tpu.memory_space<vmem>>) target(%dma_start3A_581 : memref<16x1280xi32, #tpu.memory_space<hbm>>) target_semaphore(%arg7 : memref<!tpu.dma_semaphore, #tpu.memory_space<semaphore_mem>>)
    %dma_wait3A_586 = arith.constant 0 : i32
    %dma_wait3A_587 = arith.constant 0 : i32
    %dma_wait3A_588 = arith.constant 0 : i32
    %dma_wait3A_589 = tpu.memref_slice %arg5[%dma_wait3A_586, %dma_wait3A_587, %dma_wait3A_588] : memref<2x16x1280xi32, #tpu.memory_space<vmem>> -> memref<1x16x1280xi32, #tpu.memory_space<vmem>>
    %dma_wait3A_590 = tpu.memref_squeeze %dma_wait3A_589 : memref<1x16x1280xi32, #tpu.memory_space<vmem>> -> memref<16x1280xi32, #tpu.memory_space<vmem>>
    %dma_wait3A_591 = arith.constant 0 : i32
    %dma_wait3A_592 = tpu.memref_slice %arg3[%mul3A_511, %dma_wait3A_591] : memref<5120x1280xi32, #tpu.memory_space<hbm>> -> memref<16x1280xi32, #tpu.memory_space<hbm>>
    %dma_wait3A_593 = arith.constant 0 : i32
    %dma_wait3A_594 = tpu.memref_slice %arg3[%mul3A_511, %dma_wait3A_593] : memref<5120x1280xi32, #tpu.memory_space<hbm>> -> memref<16x1280xi32, #tpu.memory_space<hbm>>
    %dma_wait3A_595 = arith.constant 0 : i32
    %dma_wait3A_596 = arith.constant 0 : i32
    %dma_wait3A_597 = tpu.memref_slice %arg5[%dma_wait3A_586, %dma_wait3A_595, %dma_wait3A_596] : memref<2x16x1280xi32, #tpu.memory_space<vmem>> -> memref<1x16x1280xi32, #tpu.memory_space<vmem>>
    %dma_wait3A_598 = tpu.memref_squeeze %dma_wait3A_597 : memref<1x16x1280xi32, #tpu.memory_space<vmem>> -> memref<16x1280xi32, #tpu.memory_space<vmem>>
    tpu.wait_dma2 semaphore(%arg6 : memref<!tpu.dma_semaphore, #tpu.memory_space<semaphore_mem>>) src(%dma_wait3A_598 : memref<16x1280xi32, #tpu.memory_space<vmem>>) dst(%dma_wait3A_594 : memref<16x1280xi32, #tpu.memory_space<hbm>>)
    %dma_wait3A_599 = arith.constant 1 : i32
    %dma_wait3A_600 = arith.constant 0 : i32
    %dma_wait3A_601 = arith.constant 0 : i32
    %dma_wait3A_602 = tpu.memref_slice %arg5[%dma_wait3A_599, %dma_wait3A_600, %dma_wait3A_601] : memref<2x16x1280xi32, #tpu.memory_space<vmem>> -> memref<1x16x1280xi32, #tpu.memory_space<vmem>>
    %dma_wait3A_603 = tpu.memref_squeeze %dma_wait3A_602 : memref<1x16x1280xi32, #tpu.memory_space<vmem>> -> memref<16x1280xi32, #tpu.memory_space<vmem>>
    %dma_wait3A_604 = arith.constant 0 : i32
    %dma_wait3A_605 = tpu.memref_slice %arg3[%mul3A_572, %dma_wait3A_604] : memref<5120x1280xi32, #tpu.memory_space<hbm>> -> memref<16x1280xi32, #tpu.memory_space<hbm>>
    %dma_wait3A_606 = arith.constant 0 : i32
    %dma_wait3A_607 = tpu.memref_slice %arg3[%mul3A_572, %dma_wait3A_606] : memref<5120x1280xi32, #tpu.memory_space<hbm>> -> memref<16x1280xi32, #tpu.memory_space<hbm>>
    %dma_wait3A_608 = arith.constant 0 : i32
    %dma_wait3A_609 = arith.constant 0 : i32
    %dma_wait3A_610 = tpu.memref_slice %arg5[%dma_wait3A_599, %dma_wait3A_608, %dma_wait3A_609] : memref<2x16x1280xi32, #tpu.memory_space<vmem>> -> memref<1x16x1280xi32, #tpu.memory_space<vmem>>
    %dma_wait3A_611 = tpu.memref_squeeze %dma_wait3A_610 : memref<1x16x1280xi32, #tpu.memory_space<vmem>> -> memref<16x1280xi32, #tpu.memory_space<vmem>>
    tpu.wait_dma2 semaphore(%arg7 : memref<!tpu.dma_semaphore, #tpu.memory_space<semaphore_mem>>) src(%dma_wait3A_611 : memref<16x1280xi32, #tpu.memory_space<vmem>>) dst(%dma_wait3A_607 : memref<16x1280xi32, #tpu.memory_space<hbm>>)
    return
  }
}

module attributes {stable_mosaic.version = 14 : i64} {
  func.func @_half_kernel(%arg0: memref<5000x4xf32, #tpu.memory_space<vmem>>, %arg1: memref<1x5120xi32, #tpu.memory_space<vmem>>) attributes {dimension_semantics = [], scalar_prefetch = 0 : i64, scratch_operands = 0 : i64, tpu.core_type = #tpu.core_type<tc>} {
    %get3A = arith.constant 0 : index
    %get3A_0 = arith.constant 2 : index
    %get3A_1 = vector.load %arg0[%get3A, %get3A_0] : memref<5000x4xf32, #tpu.memory_space<vmem>>, vector<5000x2xf32>
    %reduce_max3A = arith.constant dense<0xFF800000> : vector<5000xf32>
    %reduce_max3A_2 = vector.multi_reduction <maximumf>, %get3A_1, %reduce_max3A [1] : vector<5000x2xf32> to vector<5000xf32>
    %reduce_min3A = arith.constant dense<0x7F800000> : vector<5000xf32>
    %reduce_min3A_3 = vector.multi_reduction <minimumf>, %get3A_1, %reduce_min3A [1] : vector<5000x2xf32> to vector<5000xf32>
    %div3A = arith.divf %reduce_max3A_2, %reduce_min3A_3 : vector<5000xf32>
    %sqrt3A = math.sqrt %div3A : vector<5000xf32>
    %mul3A = arith.constant 3.300000e+01 : f32
    %mul3A_4 = vector.broadcast %mul3A : f32 to vector<5000xf32>
    %mul3A_5 = arith.mulf %mul3A_4, %sqrt3A : vector<5000xf32>
    %convert_element_type3A = arith.fptosi %mul3A_5 : vector<5000xf32> to vector<5000xi32>
    %jit3A = arith.constant 33 : i32
    %jit3A_6 = arith.constant 99 : i32
    %max3A = vector.broadcast %jit3A : i32 to vector<5000xi32>
    %max3A_7 = arith.maxsi %max3A, %convert_element_type3A : vector<5000xi32>
    %min3A = vector.broadcast %jit3A_6 : i32 to vector<5000xi32>
    %min3A_8 = arith.minsi %min3A, %max3A_7 : vector<5000xi32>
    %jit3A_9 = arith.constant 2 : i32
    %div3A_10 = vector.broadcast %jit3A_9 : i32 to vector<5000xi32>
    %div3A_11 = arith.divsi %min3A_8, %div3A_10 : vector<5000xi32>
    %sign3A = arith.constant 0 : i32
    %sign3A_12 = vector.broadcast %sign3A : i32 to vector<5000xi32>
    %sign3A_13 = arith.cmpi sgt, %min3A_8, %sign3A_12 : vector<5000xi32>
    %sign3A_14 = arith.extui %sign3A_13 : vector<5000xi1> to vector<5000xi32>
    %sign3A_15 = arith.constant 0 : i32
    %sign3A_16 = vector.broadcast %sign3A_15 : i32 to vector<5000xi32>
    %sign3A_17 = arith.cmpi slt, %min3A_8, %sign3A_16 : vector<5000xi32>
    %sign3A_18 = arith.extui %sign3A_17 : vector<5000xi1> to vector<5000xi32>
    %sign3A_19 = arith.subi %sign3A_14, %sign3A_18 : vector<5000xi32>
    %sign3A_20 = arith.constant 0 : i32
    %sign3A_21 = arith.cmpi sgt, %jit3A_9, %sign3A_20 : i32
    %sign3A_22 = arith.extui %sign3A_21 : i1 to i32
    %sign3A_23 = arith.constant 0 : i32
    %sign3A_24 = arith.cmpi slt, %jit3A_9, %sign3A_23 : i32
    %sign3A_25 = arith.extui %sign3A_24 : i1 to i32
    %sign3A_26 = arith.subi %sign3A_22, %sign3A_25 : i32
    %ne3A = vector.broadcast %sign3A_26 : i32 to vector<5000xi32>
    %ne3A_27 = arith.cmpi ne, %sign3A_19, %ne3A : vector<5000xi32>
    %rem3A = vector.broadcast %jit3A_9 : i32 to vector<5000xi32>
    %rem3A_28 = arith.remsi %min3A_8, %rem3A : vector<5000xi32>
    %ne3A_29 = arith.constant 0 : i32
    %ne3A_30 = vector.broadcast %ne3A_29 : i32 to vector<5000xi32>
    %ne3A_31 = arith.cmpi ne, %rem3A_28, %ne3A_30 : vector<5000xi32>
    %and3A = arith.andi %ne3A_27, %ne3A_31 : vector<5000xi1>
    %sub3A = arith.constant 1 : i32
    %sub3A_32 = vector.broadcast %sub3A : i32 to vector<5000xi32>
    %sub3A_33 = arith.subi %div3A_11, %sub3A_32 : vector<5000xi32>
    %select_n3A = arith.select %and3A, %sub3A_33, %div3A_11 : vector<5000xi1>, vector<5000xi32>
    %reshape3A = vector.shape_cast %select_n3A : vector<5000xi32> to vector<1x5000xi32>
    %swap3A = arith.constant 0 : index
    %swap3A_34 = arith.constant 0 : index
    %swap3A_35 = vector.load %arg1[%swap3A, %swap3A_34] : memref<1x5120xi32, #tpu.memory_space<vmem>>, vector<1x5000xi32>
    tpu.vector_store %arg1[%swap3A, %swap3A_34], %reshape3A {strides = array<i32>} : memref<1x5120xi32, #tpu.memory_space<vmem>>, vector<1x5000xi32>,
    %broadcast_in_dim3A = arith.constant 0 : i32
    %broadcast_in_dim3A_36 = vector.broadcast %broadcast_in_dim3A : i32 to vector<1x120xi32>
    %swap3A_37 = arith.constant 0 : index
    %swap3A_38 = arith.constant 5000 : index
    %swap3A_39 = vector.load %arg1[%swap3A_37, %swap3A_38] : memref<1x5120xi32, #tpu.memory_space<vmem>>, vector<1x120xi32>
    tpu.vector_store %arg1[%swap3A_37, %swap3A_38], %broadcast_in_dim3A_36 {strides = array<i32>} : memref<1x5120xi32, #tpu.memory_space<vmem>>, vector<1x120xi32>,
    return
  }
}

</mosaic_0001>

<sc_bundles>
// kernel: kernel.4.cloned.1.call-start
scs
__scs_entry_jumppad:
0x0: {  	(pc) =	sbr.rel $0x88, $3  }
0x1: {  	(tag) =	ssettag $0x0;
	lr =	simm.s32 $0x1  }
0x2: {  	[smem:$0x3FA0] =	sst lr;
	_ =	strace $0xD0000000  }
0x3: {  	_ = 	snop  }
0x4: {  	_ = 	snop  }
0x5: {  	_ = 	snop  }
0x6: {  	_ = 	snop  }
0x7: {  	_ = 	snop  }
__scs_overlays_trampoline_lowered:
0x8: {  	[smem:$0x3FAF] =	sst s0  }
0x9: {  	[smem:$0x3FB0] =	sst s1  }
0xa: {  	[smem:$0x3FB1] =	sst s2  }
0xb: {  	[smem:$0x3FB2] =	sst s3  }
0xc: {  	[smem:$0x3FB3] =	sst s4  }
0xd: {  	[smem:$0x3FB4] =	sst s5  }
0xe: {  	[smem:$0x3FB5] =	sst s6  }
0xf: {  	[smem:$0x3FB6] =	sst s7  }
0x10: {  	[smem:$0x3FB7] =	sst s8  }
0x11: {  	[smem:$0x3FB8] =	sst s9;
	s0 =	simm.s32 @!p0 $0x0  }
0x12: {  	s1 =	sld [smem:$0x3F9E];
	s0 =	simm.s32 @p0 $0x1  }
0x13: {  	[smem:$0x3FB9] =	sst s0;
	s0 =	simm.s32 @!p1 $0x0  }
0x14: {  	s2 =	sld [smem:$0x3F9D];
	s0 =	simm.s32 @p1 $0x1  }
0x15: {  	[smem:$0x3FBA] =	sst s0;
	s0 =	simm.s32 @!p2 $0x0  }
0x16: {  	s3 =	sld [smem:$0x3FDB];
	s0 =	simm.s32 @p2 $0x1  }
0x17: {  	s4 =	simm.s32 $0x1BF5;
	[smem:$0x3FBC] =	sst s0  }
0x18: {  	s0 =	sld [smem:$0x3F9F];
	_ =	swait.ge [sflag:s4], $0x0  }
0x19: {  	s7 =	sld [smem:$0x3FA0]  }
0x1a: {  	s8 =	sadd.s32 $0xFFFFE003, lr  }
0x1b: {  	s9 =	sadd.s32 $0xFFFFFEF7, lr;
	s5 =	simm.s32 $0xFFFFFFFF;
	p2 =	slt.u32 s8, $0xFFFFF086  }
0x1c: {  	p1 =	slt.u32 s9, $0xF7A;
	s5 =	simm.s32 @!p2 $0x0  }
0x1d: {  	s5 =	simm.s32 @p1 $0x1;
	p0 =	seq.s32 s7, s2  }
0x1e: {  	s7 =	smul.u32 @!p0 $0xF7A, s2;
	p2 =	seq.s32 @!p0 s5, $0x0  }
0x1f: {  	s9 =	smul.u32 $0xF7A, s1;
	s8 =	simm.s32 @!p0 $0x1BF5;
	p2 =	por !p2, p0  }
0x20: {  	[sflag:s8] =	ssyncset.s32 @!p0 $0xFFFFF086;
	s6 =	sadd.s32 @!p0 s3, s7;
	s7 =	simm.s32 @!p0 $0x108  }
0x21: {  	s3 =	sadd.s32 s3, s9;
	s6 =	sadd.s32 @!p0 $0x88, s6;
	s7 =	simm.s32 @p2 $0x1082  }
0x22: {  	[simem:s7], [sflag:s8] =	dma.local @!p0 [hbm:s6], $0xF7A  }
0x23: {  	s9 =	sor.u32 $0xD0000000, s2;
	s6 =	simm.s32 $0x108;
	_ =	swait.ge @!p0 [sflag:s8], $0x0  }
0x24: {  	s3 =	sadd.s32 $0x88, s3;
	s6 =	simm.s32 @!p1 $0x1082;
	[sflag:s4] =	ssyncset.s32 $0xFFFFF086  }
0x25: {  	[simem:s6], [sflag:s4] =	dma.local [hbm:s3], $0xF7A  }
0x26: {  	[smem:$0x3FA0] =	sst s1;
	(tag) =	ssettag s2;
	_ =	strace s9  }
0x27: {  	s1 =	sld [smem:$0x3FB0]  }
0x28: {  	s2 =	sld [smem:$0x3FB1]  }
0x29: {  	s4 =	sld [smem:$0x3FB3]  }
0x2a: {  	p0 =	seq.s32 s5, $0x0;
	s5 =	sld [smem:$0x3FB4]  }
0x2b: {  	s6 =	sld [smem:$0x3FB5]  }
0x2c: {  	s7 =	sld [smem:$0x3FB6]  }
0x2d: {  	s3 =	simm.s32 $0x108;
	s8 =	sld [smem:$0x3FB7]  }
0x2e: {  	s3 =	simm.s32 @!p0 $0x1082;
	s9 =	sld [smem:$0x3FB8]  }
0x2f: {  	lr =	sadd.s32 s0, s3;
	s0 =	sld [smem:$0x3FAF]  }
0x30: {  	s3 =	sld [smem:$0x3FB2]  }
0x31: {  	[smem:$0x3FBB] =	sst s10  }
0x32: {  	s10 =	sld [smem:$0x3FB9];
	_ =	sdelay $0x3  }
0x33: {  	p0 =	seq.s32 s10, $0x1;
	s10 =	sld [smem:$0x3FBB];
	_ =	sdelay $0x3  }
0x34: {  	[smem:$0x3FBB] =	sst s10  }
0x35: {  	s10 =	sld [smem:$0x3FBA];
	_ =	sdelay $0x3  }
0x36: {  	p1 =	seq.s32 s10, $0x1;
	s10 =	sld [smem:$0x3FBB];
	_ =	sdelay $0x3  }
0x37: {  	[smem:$0x3FBB] =	sst s10  }
0x38: {  	s10 =	sld [smem:$0x3FBC]  }
0x39: {  	_ = 	snop;
	(pc) =	sbr.ind lr, $3  }
0x3a: {  	_ = 	snop  }
0x3b: {  	_ = 	snop  }
0x3c: {  	p2 =	seq.s32 s10, $0x1;
	s10 =	sld [smem:$0x3FBB]  }
0x3d: {  	_ =	shalt  }
0x3e: {  	_ =	shalt  }
0x3f: {  	_ =	shalt  }
0x40: {  	_ =	shalt  }
0x41: {  	_ =	shalt  }
0x42: {  	_ =	shalt  }
0x43: {  	_ =	shalt  }
0x44: {  	_ =	shalt  }
0x45: {  	_ =	shalt  }
0x46: {  	_ =	shalt  }
0x47: {  	_ =	shalt  }
0x48: {  	_ =	shalt  }
0x49: {  	_ =	shalt  }
0x4a: {  	_ =	shalt  }
0x4b: {  	_ =	shalt  }
0x4c: {  	_ =	shalt  }
0x4d: {  	_ =	shalt  }
0x4e: {  	_ =	shalt  }
0x4f: {  	_ =	shalt  }
0x50: {  	_ =	shalt  }
0x51: {  	_ =	shalt  }
0x52: {  	_ =	shalt  }
0x53: {  	_ =	shalt  }
0x54: {  	_ =	shalt  }
0x55: {  	_ =	shalt  }
0x56: {  	_ =	shalt  }
0x57: {  	_ =	shalt  }
0x58: {  	_ =	shalt  }
0x59: {  	_ =	shalt  }
0x5a: {  	_ =	shalt  }
0x5b: {  	_ =	shalt  }
0x5c: {  	_ =	shalt  }
0x5d: {  	_ =	shalt  }
0x5e: {  	_ =	shalt  }
0x5f: {  	_ =	shalt  }
0x60: {  	_ =	shalt  }
0x61: {  	_ =	shalt  }
0x62: {  	_ =	shalt  }
0x63: {  	_ =	shalt  }
0x64: {  	_ =	shalt  }
0x65: {  	_ =	shalt  }
0x66: {  	_ =	shalt  }
0x67: {  	_ =	shalt  }
0x68: {  	_ =	shalt  }
0x69: {  	_ =	shalt  }
0x6a: {  	_ =	shalt  }
0x6b: {  	_ =	shalt  }
0x6c: {  	_ =	shalt  }
0x6d: {  	_ =	shalt  }
0x6e: {  	_ =	shalt  }
0x6f: {  	_ =	shalt  }
0x70: {  	_ =	shalt  }
0x71: {  	_ =	shalt  }
0x72: {  	_ =	shalt  }
0x73: {  	_ =	shalt  }
0x74: {  	_ =	shalt  }
0x75: {  	_ =	shalt  }
0x76: {  	_ =	shalt  }
0x77: {  	_ =	shalt  }
0x78: {  	_ =	shalt  }
0x79: {  	_ =	shalt  }
0x7a: {  	_ =	shalt  }
0x7b: {  	_ =	shalt  }
0x7c: {  	_ =	shalt  }
0x7d: {  	_ =	shalt  }
0x7e: {  	_ =	shalt  }
0x7f: {  	_ =	shalt  }
0x80: {  	_ =	shalt  }
0x81: {  	_ =	shalt  }
0x82: {  	_ =	shalt  }
0x83: {  	_ =	shalt  }
0x84: {  	_ =	shalt  }
0x85: {  	_ =	shalt  }
0x86: {  	_ =	shalt  }
0x87: {  	_ =	shalt  }
.Lfunc_end0:
.L_simem_size_0:
called_computation_lowered:
.L_overlay_start_0:
0x88: {  	s2 =	sld [smem:$0x3FD9]  }
0x89: {  	s3 =	sld [smem:$0x3FFE];
	_ =	sdelay $0x1  }
0x8a: {  	s1 =	srdreg.scid  }
0x8b: {  	s0 =	sand.u32 $0x1, s1  }
0x8c: {  	s17 =	sshll.u32 s0, $0xA;
	s2 =	sadd.s32 s3, s2  }
0x8d: {  	s2 =	sadd.s32 s2, s17  }
0x8e: {  	[smem:$0x3FC7] =	sst s2  }
0x8f: {  	_ = 	snop  }
0x90: {  	s2 =	sld [smem:$0x3FD0];
	(tm) =	ssettm $0x1  }
0x91: {  	s18 =	sld [smem:$0x3FFB];
	_ =	sdelay $0x3  }
0x92: {  	_ =	strace s18  }
0x93: {  	s3 =	sld [smem:$0x3FFC];
	_ =	sdelay $0x3  }
0x94: {  	_ =	strace s3  }
0x95: {  	s3 =	sld [smem:$0x3FFD];
	_ =	sdelay $0x3  }
0x96: {  	_ =	strace s3  }
0x97: {  	_ =	strace $0x8FFFFFFF  }
0x98: {  	s19 =	sld [smem:$0x3FDB];
	_ =	sdelay $0x1  }
0x99: {  	s4 =	simm.s32 $_scs_section_size  }
0x9a: {  	s5 =	simm.s32 $_size__tile_overlayer_lowered;
	s6 =	simm.s32 $_tile_overlayer_lowered  }
0x9b: {  	s22 =	simm.s32 $0x1BFF;
	s21 =	sshll.u32 s6, $0x1;
	s3 =	sadd.s32 s4, s19  }
0x9c: {  	s7 =	simm.s32 $0x0;
	s20 =	sshll.u32 s5, $0x1;
	s5 =	sadd.s32 s21, s3  }
0x9d: {  	[timem:s7], [sflag:s22] =	dma.local [hbm:s5], s20  }
0x9e: {  	_ =	swait.ge [sflag:s22], s20  }
0x9f: {  	s4 =	ssub.s32 $0x0, s20;
	[sflag:s22] =	ssyncset.done $0x0  }
0xa0: {  	[sflag:s22] =	ssyncadd.s32 s4;
	_ =	sdelay $0x1  }
0xa1: {  	s23 =	simm.s32 $0x1B8B  }
0xa2: {  	_ =	swait.ge [sflag:s23], $0x1  }
0xa3: {  	[sflag:s23] =	ssyncset.done $0x0  }
0xa4: {  	s25 =	simm.s32 $0x1B8E;
	s24 =	sld [smem:$0x3FFE];
	[sflag:s23] =	ssyncadd.s32 $0xFFFFFFFF  }
0xa5: {  	s26 =	simm.s32 $execute0_lowered;
	[smem:$0x3FD2] =	sst s25  }
0xa6: {  	s5 =	sshll.u32 s26, $0x1;
	_ =	strace $0x80000046;
	[dreg:$0x1] =	wrdreg $0xFFFFFFFF  }
0xa7: {  	s28 =	simm.s32 $_size_execute0_lowered;
	s3 =	sadd.s32 s3, s5;
	[dreg:$0x0] =	wrdreg $0x0  }
0xa8: {  	s5 =	sshll.u32 s28, $0x1;
	[dreg:$0x2] =	wrdreg s3  }
0xa9: {  	[dreg:$0x3] =	wrdreg s5  }
0xaa: {  	[dreg:$0x4] =	wrdreg $0xC0  }
0xab: {  	_ =	task [dreg:s7], $0x5FFFF  }
0xac: {  	[dreg:$0x1] =	wrdreg $0xFFFFFFFF  }
0xad: {  	[dreg:$0x0] =	wrdreg $0x60  }
0xae: {  	[dreg:$0x2] =	wrdreg s2  }
0xaf: {  	[dreg:$0x3] =	wrdreg s24  }
0xb0: {  	[dreg:$0x4] =	wrdreg $0x9  }
0xb1: {  	_ =	task.clear_ibuf [dreg:s7], $0x5FFFF;
	_ =	strace $0x90000046  }
0xb2: {  	s29 =	simm.s32 $0x9;
	_ =	strace $0x80000048  }
0xb3: {  	_ =	swait.ge [sflag:s29], $0x1  }
0xb4: {  	[sflag:s29] =	ssyncadd.s32 $0xFFFFFFFF  }
0xb5: {  	_ =	strace $0x90000048  }
0xb6: {  	_ =	sfence  }
0xb7: {  	s30 =	sld [smem:$0x0];
	_ =	sdelay $0x2  }
0xb8: {  	s31 =	sshll.u32 s1, $0xD;
	s1 =	sshrl.u32 s1, $0x2  }
0xb9: {  	s3 =	sand.u32 $0x4000, s31;
	s1 =	sadd.s32 s1, s30  }
0xba: {  	s0 =	sor.u32 s3, s0;
	s1 =	sshll.u32 s1, $0x11  }
0xbb: {  	s0 =	sor.u32 s1, s0  }
0xbc: {  	s0 =	sadd.s32 $0x8F2B, s0  }
0xbd: {  	[sflag:s0] =	ssyncadd.remote.s32 $0x1  }
0xbe: {  	_ =	sfence.sel $0xFFFF  }
0xbf: {  	[dreg:$0x0] =	wrdreg $0xFFFFFFFF;
	(pc) =	sbr.abs _section_cstart, $3  }
0xc0: {  	[dreg:$0x1] =	wrdreg $0xFFFFFFFF  }
0xc1: {  	_ =	task.clear_ibuf [dreg:s7], $0x2FFFF;
	_ =	strace $0x9FFFFFFF  }
0xc2: {  	(tm) =	ssettm $0x7FFFFFFF  }
0xc3: {  	_ =	shalt  }
tec
execute0_lowered:
.L_overlay_start_1:
0x0: {  	(tag) =	ssettag $0x1  }
0x1: {  	s1 =	srdreg.scid;
	s0 =	stileid.u32  }
0x2: {  	v32 =	vlaneseq.u32;
	s7 =	sand.u32 $0x1, s1;
	s25 =	sshll.u32 s0, $0x1  }
0x3: {  	v30 =	vimm.s32 $0x0;
	v36 =	vmul.u32 $0xFFFFFFFF, v32;
	s6 =	sor.u32 s7, s25  }
0x4: {  	v33 =	vimm.s32 $0x100;
	v35 =	vimm.s32 $0x10000;
	v37 =	vimm.s32 $0x1000000;
	s1 =	smul.u32 $0xA0, s6  }
0x5: {  	v25 =	vadd.s32 $0xFFFFFFCF, v32;
	v31 =	vadd.s32 $0x1, v36;
	v34 =	vadd.s32 $0x2, v36  }
0x6: {  	v36 =	vadd.s32 $0x3, v36;
	v1 =	vadd.s32 s1, v25;
	s2 =	sor.u32 $0x10, s1;
	v0 =	vmov s1  }
0x7: {  	s3 =	sadd.s32 $0x20, s1;
	v2 =	vshra.s32 v1, $0x2;
	v3 =	vadd.s32 s2, v25;
	v1 =	vor.u32 s1, v32  }
0x8: {  	s4 =	sadd.s32 $0x30, s1;
	s26 =	sadd.s32 $0x40, s1;
	v4 =	vor.u32 s2, v32;
	v7 =	vadd.s32 s3, v25;
	v6 =	vmov s3  }
0x9: {  	s28 =	sadd.s32 $0x50, s1;
	v9 =	vadd.s32 s4, v25;
	v10 =	vor.u32 s4, v32;
	v13 =	vadd.s32 s26, v25  }
0xa: {  	s8 =	sadd.s32 $0x60, s1;
	s10 =	sadd.s32 $0x70, s1;
	v12 =	vmov s26;
	v15 =	vadd.s32 s28, v25;
	v16 =	vor.u32 s28, v32  }
0xb: {  	s30 =	sadd.s32 $0x80, s1;
	v19 =	vadd.s32 s8, v25;
	v18 =	vmov s8;
	v21 =	vadd.s32 s10, v25  }
0xc: {  	s14 =	sadd.s32 $0x90, s1;
	v22 =	vor.u32 s10, v32;
	v26 =	vadd.s32 s30, v25;
	v24 =	vmov s30  }
0xd: {  	v27 =	vadd.s32 s14, v25;
	v25 =	vor.u32 s30, v32;
	v28 =	vor.u32 s14, v32  }
0xe: {  	vm0 =	vgt.s32 v2, $0x8;
	v5 =	vshra.s32 v3, $0x2;
	v3 =	vmov s2  }
0xf: {  	v8 =	vshra.s32 v7, $0x2;
	v7 =	vor.u32 s3, v32;
	v11 =	vshra.s32 v9, $0x2  }
0x10: {  	s9 =	rddreg [dreg:$0x1];
	v9 =	vmov s4;
	v14 =	vshra.s32 v13, $0x2;
	v13 =	vor.u32 s26, v32  }
0x11: {  	s5 =	simm.s32 $0x0;
	s17 =	simm.s32 $0x3;
	s18 =	simm.s32 $0x1400;
	v17 =	vshra.s32 v15, $0x2;
	v15 =	vmov s28;
	v20 =	vshra.s32 v19, $0x2  }
0x12: {  	s19 =	simm.s32 $0x6400;
	s20 =	simm.s32 $0x1;
	s21 =	simm.s32 $0x2;
	v19 =	vor.u32 s8, v32;
	v23 =	vshra.s32 v21, $0x2;
	v21 =	vmov s10  }
0x13: {  	s22 =	simm.s32 $0x0;
	s7 =	ssub.s32 $0x2, s7;
	s11 =	smul.u32 $0x32000, s6;
	v26 =	vshra.s32 v26, $0x2;
	v29 =	vshra.s32 v27, $0x2;
	v27 =	vmov s14  }
0x14: {  	[smem:$0x7FF] =	sst s5;
	s6 =	smul.u32 $0x6400, s6;
	s31 =	sshrl.u32 s7, $0x1;
	v32 =	vmul.u32 $0x500, v32;
	v2 =	vnsel vm0, $0x8, v2;
	vm7 =	vgt.s32 v5, $0x8  }
0x15: {  	s29 =	sadd.s32 $0x600, s9;
	s16 =	ssub.s32 s7, s31;
	s11 =	sshrl.u32 s11, $0x3;
	vm8 =	vgt.s32 v8, $0x8;
	vm9 =	vgt.s32 v11, $0x8;
	vm10 =	vgt.s32 v14, $0x8  }
0x16: {  	s6 =	sadd.s32 s29, s6;
	s16 =	smax.u32 s16, $0x1;
	s3 =	rddreg [dreg:$0x0];
	vm11 =	vgt.s32 v17, $0x8;
	vm12 =	vgt.s32 v20, $0x8;
	vm13 =	vgt.s32 v23, $0x8  }
0x17: {  	s15 =	sadd.s32 s29, s11;
	s4 =	rddreg [dreg:$0x2];
	_ =	strace $0x80000047;
	vm14 =	vgt.s32 v26, $0x8;
	vm15 =	vgt.s32 v29, $0x8;
	v5 =	vnsel vm7, $0x8, v5  }
0x18: {  	s7 =	sadd.s32 $0xA00, s15;
	s8 =	sadd.s32 $0x1400, s15;
	s9 =	sadd.s32 $0x1E00, s15;
	v8 =	vnsel vm8, $0x8, v8;
	v11 =	vnsel vm9, $0x8, v11;
	v14 =	vnsel vm10, $0x8, v14  }
0x19: {  	s10 =	sadd.s32 $0x2800, s15;
	s11 =	sadd.s32 $0x3200, s15;
	s12 =	sadd.s32 $0x3C00, s15;
	v17 =	vnsel vm11, $0x8, v17;
	v20 =	vnsel vm12, $0x8, v20;
	v23 =	vnsel vm13, $0x8, v23  }
0x1a: {  	s13 =	sadd.s32 $0x4600, s15;
	s14 =	sadd.s32 $0x5000, s15;
	s15 =	sadd.s32 $0x5A00, s15;
	v26 =	vnsel vm14, $0x8, v26;
	v29 =	vnsel vm15, $0x8, v29;
	v38 =	vadd.s32 $0x5000, v32  }
.LBB2_1:
0x1b: {  	[tilespmem:s5], [sflag:$0x3] =	stream.linear.gather [hbm4b:s3+s5], $0x1400, $0x38;
	[tilespmem:$0xB400] =	vst v63  }
0x1c: {  	_ =	swait.ge [sflag:s17], $0x1400  }
0x1d: {  	[sflag:s17] =	ssyncset.done $0x0  }
0x1e: {  	s23 =	simm.s32 $0x0;
	s24 =	simm.s32 $0x40;
	[sflag:s17] =	ssyncadd.s32 $0xFFFFEC00  }
.LBB2_2:
0x1f: {  	p0 =	sne.s32 s24, $0x13C0;
	[tilespmem:s23+$0xAF00] =	vst v30  }
0x20: {  	[tilespmem:s23+$0x1400] =	vst v30  }
0x21: {  	[tilespmem:s23+$0x1900] =	vst v30  }
0x22: {  	[tilespmem:s23+$0x1E00] =	vst v30  }
0x23: {  	[tilespmem:s23+$0x2300] =	vst v30  }
0x24: {  	[tilespmem:s23+$0x2800] =	vst v30  }
0x25: {  	[tilespmem:s23+$0x2D00] =	vst v30  }
0x26: {  	[tilespmem:s23+$0x3200] =	vst v30  }
0x27: {  	[tilespmem:s23+$0x3700] =	vst v30  }
0x28: {  	[tilespmem:s23+$0x3C00] =	vst v30  }
0x29: {  	[tilespmem:s23+$0x4100] =	vst v30  }
0x2a: {  	[tilespmem:s23+$0x4600] =	vst v30  }
0x2b: {  	[tilespmem:s23+$0x4B00] =	vst v30  }
0x2c: {  	[tilespmem:s23+$0x5000] =	vst v30  }
0x2d: {  	[tilespmem:s23+$0x5500] =	vst v30  }
0x2e: {  	[tilespmem:s23+$0x5A00] =	vst v30  }
0x2f: {  	[tilespmem:s23+$0x5F00] =	vst v30  }
0x30: {  	[tilespmem:s23+$0x6400] =	vst v30  }
0x31: {  	[tilespmem:s23+$0x6900] =	vst v30  }
0x32: {  	[tilespmem:s23+$0x6E00] =	vst v30  }
0x33: {  	[tilespmem:s23+$0x7300] =	vst v30  }
0x34: {  	[tilespmem:s23+$0x7800] =	vst v30  }
0x35: {  	[tilespmem:s23+$0x7D00] =	vst v30  }
0x36: {  	[tilespmem:s23+$0x8200] =	vst v30  }
0x37: {  	[tilespmem:s23+$0x8700] =	vst v30  }
0x38: {  	[tilespmem:s23+$0x8C00] =	vst v30  }
0x39: {  	[tilespmem:s23+$0x9100] =	vst v30  }
.Ltmp0:
0x3a: {  	[tilespmem:s23+$0x9600] =	vst v30;
	(pc) =	sbr.rel @p0 .LBB2_2-.Ltmp0, $4  }
0x3b: {  	[tilespmem:s23+$0x9B00] =	vst v30  }
0x3c: {  	[tilespmem:s23+$0xA000] =	vst v30  }
0x3d: {  	[tilespmem:s23+$0xA500] =	vst v30  }
0x3e: {  	[tilespmem:s23+$0xAA00] =	vst v30;
	s23 =	sshra.s32 s24, $0x2;
	s24 =	sadd.s32 $0x40, s24  }
0x3f: {  	[tilespmem:s23+$0xAF00] =	vst v30  }
0x40: {  	[tilespmem:s23+$0x1400] =	vst v30  }
0x41: {  	[tilespmem:s23+$0x1900] =	vst v30  }
0x42: {  	[tilespmem:s23+$0x1E00] =	vst v30  }
0x43: {  	[tilespmem:s23+$0x2300] =	vst v30  }
0x44: {  	[tilespmem:s23+$0x2800] =	vst v30  }
0x45: {  	[tilespmem:s23+$0x2D00] =	vst v30  }
0x46: {  	[tilespmem:s23+$0x3200] =	vst v30  }
0x47: {  	[tilespmem:s23+$0x3700] =	vst v30  }
0x48: {  	[tilespmem:s23+$0x3C00] =	vst v30  }
0x49: {  	[tilespmem:s23+$0x4100] =	vst v30  }
0x4a: {  	[tilespmem:s23+$0x4600] =	vst v30  }
0x4b: {  	[tilespmem:s23+$0x4B00] =	vst v30  }
0x4c: {  	[tilespmem:s23+$0x5000] =	vst v30  }
0x4d: {  	[tilespmem:s23+$0x5500] =	vst v30  }
0x4e: {  	[tilespmem:s23+$0x5A00] =	vst v30  }
0x4f: {  	[tilespmem:s23+$0x5F00] =	vst v30  }
0x50: {  	[tilespmem:s23+$0x6400] =	vst v30  }
0x51: {  	[tilespmem:s23+$0x6900] =	vst v30  }
0x52: {  	[tilespmem:s23+$0x6E00] =	vst v30  }
0x53: {  	[tilespmem:s23+$0x7300] =	vst v30  }
0x54: {  	[tilespmem:s23+$0x7800] =	vst v30  }
0x55: {  	[tilespmem:s23+$0x7D00] =	vst v30  }
0x56: {  	[tilespmem:s23+$0x8200] =	vst v30  }
0x57: {  	[tilespmem:s23+$0x8700] =	vst v30;
	s24 =	simm.s32 $0x0  }
0x58: {  	[tilespmem:s23+$0x8C00] =	vst v30;
	v39 =	vmov s24  }
0x59: {  	[tilespmem:s23+$0x9100] =	vst v30;
	v39 =	vadd.s32 $0xFFFFFFF8, v39  }
0x5a: {  	[tilespmem:s23+$0x9600] =	vst v30;
	v39 =	vbroadcast v39, $0x0  }
0x5b: {  	[tilespmem:s23+$0x9B00] =	vst v30  }
0x5c: {  	[tilespmem:s23+$0xA000] =	vst v30;
	s31 =	simm.s32 $0x1;
	v39 =	vadd.s32 v2, v39  }
0x5d: {  	[tilespmem:s23+$0xA500] =	vst v30;
	v47 =	vmov s31;
	vm0 =	vlt.s32 v39, $0x4FF  }
0x5e: {  	[tilespmem:s23+$0xAA00] =	vst v30;
	v60 =	vadd.s32 $0xFFFFFFF8, v47;
	v39 =	vnsel vm0, $0x4FF, v39  }
0x5f: {  	v40 =	vld [tilespmem:s1+$0x0];
	v61 =	vbroadcast v60, $0x0;
	v41 =	vshll.u32 v39, $0x2  }
0x60: {  	v39 =	vadd.s32 v32, v39;
	v42 =	vsub.s32 v41, v1;
	v41 =	vsub.s32 v41, v0  }
0x61: {  	v43 =	vsub.s32 $0x0, v42;
	v44 =	vadd.s32 v31, v41;
	v45 =	vadd.s32 v34, v41  }
0x62: {  	v41 =	vadd.s32 v36, v41;
	v42 =	vmin.u32 v42, v43;
	v59 =	vsub.s32 $0x0, v44  }
0x63: {  	v46 =	vsub.s32 $0x0, v45;
	v62 =	vsub.s32 $0x0, v41;
	v43 =	vmin.u32 v44, v59  }
0x64: {  	vm0 =	vle.s32 v42, v40;
	v45 =	vmin.u32 v45, v46;
	v44 =	vmin.u32 v41, v62  }
0x65: {  	v42 =	vadd.s32 v2, v61;
	vm1 =	vgt.s32 v43, v40;
	v63 =	vsel vm0, $0x1, v30  }
0x66: {  	vm0 =	vgt.s32 v45, v40;
	v43 =	vsel vm1, $0x0, v33;
	vm1 =	vlt.s32 v42, $0x4FF  }
0x67: {  	s23 =	simm.s32 $0x2;
	v41 =	vor.u32 v63, v43;
	v43 =	vsel vm0, $0x0, v35;
	vm0 =	vgt.s32 v44, v40  }
.LBB2_4:
0x68: {  	p0 =	sne.s32 s23, $0x21;
	v42 =	vnsel vm1, $0x4FF, v42;
	v41 =	vor.u32 v43, v41;
	v43 =	vsel vm0, $0x0, v37;
	s24 =	smov.u32 s23;
	s23 =	sadd.s32 $0x1, s23  }
0x69: {  	v44 =	vshll.u32 v42, $0x2;
	v42 =	vadd.s32 v32, v42;
	v41 =	vor.u32 v43, v41  }
0x6a: {  	v43 =	vsub.s32 v44, v1;
	v44 =	vsub.s32 v44, v0;
	[tilespmem:v39+s18+$0x0] =	vst.idx.msk $0xffff, v41;
	v39 =	vmov v42  }
0x6b: {  	v41 =	vsub.s32 $0x0, v43;
	v42 =	vadd.s32 v31, v44;
	v45 =	vadd.s32 v34, v44  }
0x6c: {  	v41 =	vmin.u32 v43, v41;
	v43 =	vsub.s32 $0x0, v42;
	v46 =	vsub.s32 $0x0, v45  }
0x6d: {  	v47 =	vmov s24;
	v42 =	vmin.u32 v42, v43;
	v43 =	vadd.s32 v36, v44  }
.Ltmp1:
0x6e: {  	v44 =	vadd.s32 $0xFFFFFFF8, v47;
	vm0 =	vle.s32 v41, v40;
	vm1 =	vgt.s32 v42, v40;
	(pc) =	sbr.rel @p0 .LBB2_4-.Ltmp1, $4  }
0x6f: {  	v41 =	vbroadcast v44, $0x0;
	v42 =	vsub.s32 $0x0, v43;
	v44 =	vsel vm1, $0x0, v33  }
0x70: {  	v45 =	vmin.u32 v45, v46;
	v47 =	vsel vm0, $0x1, v30;
	v46 =	vmin.u32 v43, v42  }
0x71: {  	vm0 =	vgt.s32 v45, v40;
	v42 =	vadd.s32 v2, v41;
	v41 =	vor.u32 v47, v44  }
0x72: {  	v43 =	vsel vm0, $0x0, v35;
	vm0 =	vgt.s32 v46, v40;
	vm1 =	vlt.s32 v42, $0x4FF  }
0x73: {  	v42 =	vnsel vm1, $0x4FF, v42;
	v41 =	vor.u32 v43, v41  }
0x74: {  	s23 =	simm.s32 $0x0;
	v60 =	vsel vm0, $0x0, v37;
	v44 =	vshll.u32 v42, $0x2;
	v42 =	vadd.s32 v32, v42  }
0x75: {  	v59 =	vmov s23;
	v45 =	vsub.s32 v44, v0;
	v44 =	vsub.s32 v44, v1  }
0x76: {  	v61 =	vadd.s32 $0xFFFFFFF8, v59;
	v46 =	vadd.s32 v31, v45;
	v54 =	vsub.s32 $0x0, v44  }
0x77: {  	v55 =	vadd.s32 v34, v45;
	v45 =	vadd.s32 v36, v45;
	v47 =	vsub.s32 $0x0, v46  }
0x78: {  	v63 =	vbroadcast v61, $0x0;
	v43 =	vmin.u32 v44, v54;
	v46 =	vmin.u32 v46, v47  }
0x79: {  	v56 =	vsub.s32 $0x0, v55;
	v57 =	vsub.s32 $0x0, v45;
	vm1 =	vgt.s32 v46, v40  }
0x7a: {  	v44 =	vmin.u32 v55, v56;
	v46 =	vsel vm1, $0x0, v33;
	vm1 =	vle.s32 v43, v40  }
0x7b: {  	vm0 =	vgt.s32 v44, v40;
	v43 =	vmin.u32 v45, v57;
	v58 =	vsel vm1, $0x1, v30  }
0x7c: {  	v62 =	vsel vm0, $0x0, v35;
	vm0 =	vgt.s32 v43, v40;
	v45 =	vor.u32 v58, v46  }
0x7d: {  	v41 =	vor.u32 v60, v41;
	v49 =	vsel vm0, $0x0, v37;
	v48 =	vor.u32 v62, v45  }
0x7e: {  	s31 =	simm.s32 $0x1;
	[tilespmem:v39+s18+$0x0] =	vst.idx.msk $0xffff, v41;
	v40 =	vadd.s32 v5, v63;
	v50 =	vor.u32 v49, v48  }
0x7f: {  	v59 =	vmov s31;
	vm0 =	vlt.s32 v40, $0x4FF;
	[tilespmem:v42+s18+$0x0] =	vst.idx.msk $0xffff, v50  }
0x80: {  	v60 =	vadd.s32 $0xFFFFFFF8, v59;
	v51 =	vnsel vm0, $0x4FF, v40;
	[hbm4b:s6+s23] =	stream.linear.scatter [tilespmem:s18], [sflag:$0x1], $0x5000, $0x38;
	[tilespmem:$0xB400] =	vst v63  }
0x81: {  	v61 =	vbroadcast v60, $0x0;
	v52 =	vshll.u32 v51, $0x2;
	v40 =	vld [tilespmem:s2+$0x0]  }
0x82: {  	v39 =	vadd.s32 v38, v51;
	v53 =	vsub.s32 v52, v4;
	v41 =	vsub.s32 v52, v3  }
0x83: {  	v54 =	vsub.s32 $0x0, v53;
	v55 =	vadd.s32 v31, v41;
	v56 =	vadd.s32 v34, v41  }
0x84: {  	v41 =	vadd.s32 v36, v41;
	v42 =	vmin.u32 v53, v54;
	v57 =	vsub.s32 $0x0, v55  }
0x85: {  	v58 =	vsub.s32 $0x0, v56;
	v62 =	vsub.s32 $0x0, v41;
	v43 =	vmin.u32 v55, v57  }
0x86: {  	v45 =	vmin.u32 v56, v58;
	v44 =	vmin.u32 v41, v62;
	vm1 =	vgt.s32 v43, v40  }
0x87: {  	v41 =	vadd.s32 v5, v61;
	vm0 =	vle.s32 v42, v40;
	v43 =	vsel vm1, $0x0, v33  }
0x88: {  	v63 =	vsel vm0, $0x1, v30;
	vm0 =	vgt.s32 v45, v40;
	vm1 =	vlt.s32 v41, $0x4FF  }
0x89: {  	s23 =	simm.s32 $0x2;
	v42 =	vor.u32 v63, v43;
	v43 =	vsel vm0, $0x0, v35;
	vm0 =	vgt.s32 v44, v40  }
.LBB2_6:
0x8a: {  	p0 =	sne.s32 s23, $0x21;
	v41 =	vnsel vm1, $0x4FF, v41;
	v42 =	vor.u32 v43, v42;
	v43 =	vsel vm0, $0x0, v37;
	s24 =	smov.u32 s23;
	s23 =	sadd.s32 $0x1, s23  }
0x8b: {  	v44 =	vshll.u32 v41, $0x2;
	v41 =	vadd.s32 v38, v41;
	v42 =	vor.u32 v43, v42  }
0x8c: {  	v43 =	vsub.s32 v44, v4;
	v44 =	vsub.s32 v44, v3;
	[tilespmem:v39+s18+$0x0] =	vst.idx.msk $0xffff, v42;
	v39 =	vmov v41  }
0x8d: {  	v41 =	vsub.s32 $0x0, v43;
	v42 =	vadd.s32 v31, v44;
	v45 =	vadd.s32 v34, v44  }
0x8e: {  	v41 =	vmin.u32 v43, v41;
	v43 =	vsub.s32 $0x0, v42;
	v46 =	vsub.s32 $0x0, v45  }
0x8f: {  	v47 =	vmov s24;
	v42 =	vmin.u32 v42, v43;
	v43 =	vadd.s32 v36, v44  }
.Ltmp2:
0x90: {  	v44 =	vadd.s32 $0xFFFFFFF8, v47;
	vm0 =	vle.s32 v41, v40;
	vm1 =	vgt.s32 v42, v40;
	(pc) =	sbr.rel @p0 .LBB2_6-.Ltmp2, $4  }
0x91: {  	v41 =	vbroadcast v44, $0x0;
	v44 =	vsub.s32 $0x0, v43;
	v42 =	vsel vm1, $0x0, v33  }
0x92: {  	v45 =	vmin.u32 v45, v46;
	v47 =	vsel vm0, $0x1, v30;
	v44 =	vmin.u32 v43, v44  }
0x93: {  	vm0 =	vgt.s32 v45, v40;
	v41 =	vadd.s32 v5, v41;
	v42 =	vor.u32 v47, v42  }
0x94: {  	v43 =	vsel vm0, $0x0, v35;
	vm0 =	vgt.s32 v44, v40;
	vm1 =	vlt.s32 v41, $0x4FF  }
0x95: {  	v41 =	vnsel vm1, $0x4FF, v41  }
0x96: {  	v42 =	vor.u32 v43, v42;
	v44 =	vsel vm0, $0x0, v37;
	v55 =	vshll.u32 v41, $0x2  }
0x97: {  	v42 =	vor.u32 v44, v42;
	v45 =	vsub.s32 v55, v4  }
0x98: {  	v41 =	vadd.s32 v38, v41;
	v43 =	vsub.s32 v55, v3;
	v56 =	vsub.s32 $0x0, v45  }
0x99: {  	v46 =	vadd.s32 v31, v43;
	v47 =	vadd.s32 v34, v43;
	v43 =	vadd.s32 v36, v43  }
0x9a: {  	v44 =	vmin.u32 v45, v56;
	v57 =	vsub.s32 $0x0, v46;
	v58 =	vsub.s32 $0x0, v47  }
0x9b: {  	v61 =	vsub.s32 $0x0, v43;
	v45 =	vmin.u32 v46, v57;
	vm0 =	vle.s32 v44, v40  }
0x9c: {  	v60 =	vmin.u32 v47, v58;
	v43 =	vmin.u32 v43, v61;
	vm1 =	vgt.s32 v45, v40  }
0x9d: {  	v62 =	vsel vm0, $0x1, v30;
	vm0 =	vgt.s32 v60, v40;
	v59 =	vsel vm1, $0x0, v33  }
0x9e: {  	s23 =	simm.s32 $0x0;
	v45 =	vsel vm0, $0x0, v35;
	vm0 =	vgt.s32 v43, v40;
	v44 =	vor.u32 v62, v59  }
0x9f: {  	v48 =	vmov s23;
	v43 =	vsel vm0, $0x0, v37;
	v63 =	vor.u32 v45, v44  }
0xa0: {  	[tilespmem:v39+s18+$0x0] =	vst.idx.msk $0xffff, v42;
	v50 =	vadd.s32 $0xFFFFFFF8, v48;
	v49 =	vor.u32 v43, v63  }
0xa1: {  	v51 =	vbroadcast v50, $0x0;
	[tilespmem:v41+s18+$0x0] =	vst.idx.msk $0xffff, v49  }
0xa2: {  	[hbm4b:s7+s23] =	stream.linear.scatter [tilespmem:s19], [sflag:$0x2], $0x5000, $0x38;
	[tilespmem:$0xB400] =	vst v63  }
0xa3: {  	v39 =	vadd.s32 v8, v51;
	_ =	swait.ge [sflag:s20], $0x5000  }
0xa4: {  	s31 =	simm.s32 $0x1;
	vm0 =	vlt.s32 v39, $0x4FF;
	[sflag:s20] =	ssyncset.done $0x0  }
0xa5: {  	v59 =	vmov s31;
	v39 =	vnsel vm0, $0x4FF, v39;
	[sflag:s20] =	ssyncadd.s32 $0xFFFFB000  }
0xa6: {  	v60 =	vadd.s32 $0xFFFFFFF8, v59;
	v52 =	vshll.u32 v39, $0x2;
	v39 =	vadd.s32 v32, v39;
	v40 =	vld [tilespmem:s1+$0x20]  }
0xa7: {  	v61 =	vbroadcast v60, $0x0;
	v53 =	vsub.s32 v52, v7;
	v41 =	vsub.s32 v52, v6  }
0xa8: {  	v54 =	vsub.s32 $0x0, v53;
	v55 =	vadd.s32 v31, v41;
	v56 =	vadd.s32 v34, v41  }
0xa9: {  	v41 =	vadd.s32 v36, v41;
	v42 =	vmin.u32 v53, v54;
	v57 =	vsub.s32 $0x0, v55  }
0xaa: {  	v58 =	vsub.s32 $0x0, v56;
	v62 =	vsub.s32 $0x0, v41;
	v43 =	vmin.u32 v55, v57  }
0xab: {  	v45 =	vmin.u32 v56, v58;
	v44 =	vmin.u32 v41, v62;
	vm1 =	vgt.s32 v43, v40  }
0xac: {  	v41 =	vadd.s32 v8, v61;
	vm0 =	vle.s32 v42, v40;
	v43 =	vsel vm1, $0x0, v33  }
0xad: {  	v63 =	vsel vm0, $0x1, v30;
	vm0 =	vgt.s32 v45, v40;
	vm1 =	vlt.s32 v41, $0x4FF  }
0xae: {  	s23 =	simm.s32 $0x2;
	v42 =	vor.u32 v63, v43;
	v43 =	vsel vm0, $0x0, v35;
	vm0 =	vgt.s32 v44, v40  }
.LBB2_8:
0xaf: {  	p0 =	sne.s32 s23, $0x21;
	v41 =	vnsel vm1, $0x4FF, v41;
	v42 =	vor.u32 v43, v42;
	v43 =	vsel vm0, $0x0, v37;
	s24 =	smov.u32 s23;
	s23 =	sadd.s32 $0x1, s23  }
0xb0: {  	v44 =	vshll.u32 v41, $0x2;
	v41 =	vadd.s32 v32, v41;
	v42 =	vor.u32 v43, v42  }
0xb1: {  	v43 =	vsub.s32 v44, v7;
	v44 =	vsub.s32 v44, v6;
	[tilespmem:v39+s18+$0x0] =	vst.idx.msk $0xffff, v42;
	v39 =	vmov v41  }
0xb2: {  	v41 =	vsub.s32 $0x0, v43;
	v42 =	vadd.s32 v31, v44;
	v45 =	vadd.s32 v34, v44  }
0xb3: {  	v41 =	vmin.u32 v43, v41;
	v43 =	vsub.s32 $0x0, v42;
	v46 =	vsub.s32 $0x0, v45  }
0xb4: {  	v47 =	vmov s24;
	v42 =	vmin.u32 v42, v43;
	v43 =	vadd.s32 v36, v44  }
.Ltmp3:
0xb5: {  	v44 =	vadd.s32 $0xFFFFFFF8, v47;
	vm0 =	vle.s32 v41, v40;
	vm1 =	vgt.s32 v42, v40;
	(pc) =	sbr.rel @p0 .LBB2_8-.Ltmp3, $4  }
0xb6: {  	v41 =	vbroadcast v44, $0x0;
	v44 =	vsub.s32 $0x0, v43;
	v42 =	vsel vm1, $0x0, v33  }
0xb7: {  	v45 =	vmin.u32 v45, v46;
	v47 =	vsel vm0, $0x1, v30;
	v44 =	vmin.u32 v43, v44  }
0xb8: {  	vm0 =	vgt.s32 v45, v40;
	v41 =	vadd.s32 v8, v41;
	v42 =	vor.u32 v47, v42  }
0xb9: {  	v43 =	vsel vm0, $0x0, v35;
	vm0 =	vgt.s32 v44, v40;
	vm1 =	vlt.s32 v41, $0x4FF  }
0xba: {  	v41 =	vnsel vm1, $0x4FF, v41  }
0xbb: {  	v42 =	vor.u32 v43, v42;
	v44 =	vsel vm0, $0x0, v37;
	v55 =	vshll.u32 v41, $0x2  }
0xbc: {  	v42 =	vor.u32 v44, v42;
	v45 =	vsub.s32 v55, v7  }
0xbd: {  	v41 =	vadd.s32 v32, v41;
	v43 =	vsub.s32 v55, v6;
	v56 =	vsub.s32 $0x0, v45  }
0xbe: {  	v46 =	vadd.s32 v31, v43;
	v47 =	vadd.s32 v34, v43;
	v43 =	vadd.s32 v36, v43  }
0xbf: {  	v44 =	vmin.u32 v45, v56;
	v57 =	vsub.s32 $0x0, v46;
	v58 =	vsub.s32 $0x0, v47  }
0xc0: {  	v61 =	vsub.s32 $0x0, v43;
	v45 =	vmin.u32 v46, v57;
	vm0 =	vle.s32 v44, v40  }
0xc1: {  	v60 =	vmin.u32 v47, v58;
	v43 =	vmin.u32 v43, v61;
	vm1 =	vgt.s32 v45, v40  }
0xc2: {  	v62 =	vsel vm0, $0x1, v30;
	vm0 =	vgt.s32 v60, v40;
	v59 =	vsel vm1, $0x0, v33  }
0xc3: {  	s23 =	simm.s32 $0x0;
	v45 =	vsel vm0, $0x0, v35;
	vm0 =	vgt.s32 v43, v40;
	v44 =	vor.u32 v62, v59  }
0xc4: {  	v48 =	vmov s23;
	v43 =	vsel vm0, $0x0, v37;
	v63 =	vor.u32 v45, v44  }
0xc5: {  	[tilespmem:v39+s18+$0x0] =	vst.idx.msk $0xffff, v42;
	v50 =	vadd.s32 $0xFFFFFFF8, v48;
	v49 =	vor.u32 v43, v63  }
0xc6: {  	v51 =	vbroadcast v50, $0x0;
	[tilespmem:v41+s18+$0x0] =	vst.idx.msk $0xffff, v49  }
0xc7: {  	[hbm4b:s8+s23] =	stream.linear.scatter [tilespmem:s18], [sflag:$0x1], $0x5000, $0x38;
	[tilespmem:$0xB400] =	vst v63  }
0xc8: {  	v39 =	vadd.s32 v11, v51;
	_ =	swait.ge [sflag:s21], $0x5000  }
0xc9: {  	s31 =	simm.s32 $0x1;
	vm0 =	vlt.s32 v39, $0x4FF;
	[sflag:s21] =	ssyncset.done $0x0  }
0xca: {  	v59 =	vmov s31;
	v39 =	vnsel vm0, $0x4FF, v39;
	[sflag:s21] =	ssyncadd.s32 $0xFFFFB000  }
0xcb: {  	v60 =	vadd.s32 $0xFFFFFFF8, v59;
	v52 =	vshll.u32 v39, $0x2;
	v39 =	vadd.s32 v38, v39;
	v40 =	vld [tilespmem:s1+$0x30]  }
0xcc: {  	v61 =	vbroadcast v60, $0x0;
	v53 =	vsub.s32 v52, v10;
	v41 =	vsub.s32 v52, v9  }
0xcd: {  	v54 =	vsub.s32 $0x0, v53;
	v55 =	vadd.s32 v31, v41;
	v56 =	vadd.s32 v34, v41  }
0xce: {  	v41 =	vadd.s32 v36, v41;
	v42 =	vmin.u32 v53, v54;
	v57 =	vsub.s32 $0x0, v55  }
0xcf: {  	v58 =	vsub.s32 $0x0, v56;
	v62 =	vsub.s32 $0x0, v41;
	v43 =	vmin.u32 v55, v57  }
0xd0: {  	v45 =	vmin.u32 v56, v58;
	v44 =	vmin.u32 v41, v62;
	vm1 =	vgt.s32 v43, v40  }
0xd1: {  	v41 =	vadd.s32 v11, v61;
	vm0 =	vle.s32 v42, v40;
	v43 =	vsel vm1, $0x0, v33  }
0xd2: {  	v63 =	vsel vm0, $0x1, v30;
	vm0 =	vgt.s32 v45, v40;
	vm1 =	vlt.s32 v41, $0x4FF  }
0xd3: {  	s23 =	simm.s32 $0x2;
	v42 =	vor.u32 v63, v43;
	v43 =	vsel vm0, $0x0, v35;
	vm0 =	vgt.s32 v44, v40  }
.LBB2_10:
0xd4: {  	p0 =	sne.s32 s23, $0x21;
	v41 =	vnsel vm1, $0x4FF, v41;
	v42 =	vor.u32 v43, v42;
	v43 =	vsel vm0, $0x0, v37;
	s24 =	smov.u32 s23;
	s23 =	sadd.s32 $0x1, s23  }
0xd5: {  	v44 =	vshll.u32 v41, $0x2;
	v41 =	vadd.s32 v38, v41;
	v42 =	vor.u32 v43, v42  }
0xd6: {  	v43 =	vsub.s32 v44, v10;
	v44 =	vsub.s32 v44, v9;
	[tilespmem:v39+s18+$0x0] =	vst.idx.msk $0xffff, v42;
	v39 =	vmov v41  }
0xd7: {  	v41 =	vsub.s32 $0x0, v43;
	v42 =	vadd.s32 v31, v44;
	v45 =	vadd.s32 v34, v44  }
0xd8: {  	v41 =	vmin.u32 v43, v41;
	v43 =	vsub.s32 $0x0, v42;
	v46 =	vsub.s32 $0x0, v45  }
0xd9: {  	v47 =	vmov s24;
	v42 =	vmin.u32 v42, v43;
	v43 =	vadd.s32 v36, v44  }
.Ltmp4:
0xda: {  	v44 =	vadd.s32 $0xFFFFFFF8, v47;
	vm0 =	vle.s32 v41, v40;
	vm1 =	vgt.s32 v42, v40;
	(pc) =	sbr.rel @p0 .LBB2_10-.Ltmp4, $4  }
0xdb: {  	v41 =	vbroadcast v44, $0x0;
	v44 =	vsub.s32 $0x0, v43;
	v42 =	vsel vm1, $0x0, v33  }
0xdc: {  	v45 =	vmin.u32 v45, v46;
	v47 =	vsel vm0, $0x1, v30;
	v44 =	vmin.u32 v43, v44  }
0xdd: {  	vm0 =	vgt.s32 v45, v40;
	v41 =	vadd.s32 v11, v41;
	v42 =	vor.u32 v47, v42  }
0xde: {  	v43 =	vsel vm0, $0x0, v35;
	vm0 =	vgt.s32 v44, v40;
	vm1 =	vlt.s32 v41, $0x4FF  }
0xdf: {  	v41 =	vnsel vm1, $0x4FF, v41  }
0xe0: {  	v42 =	vor.u32 v43, v42;
	v44 =	vsel vm0, $0x0, v37;
	v55 =	vshll.u32 v41, $0x2  }
0xe1: {  	v42 =	vor.u32 v44, v42;
	v45 =	vsub.s32 v55, v10  }
0xe2: {  	v41 =	vadd.s32 v38, v41;
	v43 =	vsub.s32 v55, v9;
	v56 =	vsub.s32 $0x0, v45  }
0xe3: {  	v46 =	vadd.s32 v31, v43;
	v47 =	vadd.s32 v34, v43;
	v43 =	vadd.s32 v36, v43  }
0xe4: {  	v44 =	vmin.u32 v45, v56;
	v57 =	vsub.s32 $0x0, v46;
	v58 =	vsub.s32 $0x0, v47  }
0xe5: {  	v61 =	vsub.s32 $0x0, v43;
	v45 =	vmin.u32 v46, v57;
	vm0 =	vle.s32 v44, v40  }
0xe6: {  	v60 =	vmin.u32 v47, v58;
	v43 =	vmin.u32 v43, v61;
	vm1 =	vgt.s32 v45, v40  }
0xe7: {  	v62 =	vsel vm0, $0x1, v30;
	vm0 =	vgt.s32 v60, v40;
	v59 =	vsel vm1, $0x0, v33  }
0xe8: {  	s23 =	simm.s32 $0x0;
	v45 =	vsel vm0, $0x0, v35;
	vm0 =	vgt.s32 v43, v40;
	v44 =	vor.u32 v62, v59  }
0xe9: {  	v48 =	vmov s23;
	v43 =	vsel vm0, $0x0, v37;
	v63 =	vor.u32 v45, v44  }
0xea: {  	[tilespmem:v39+s18+$0x0] =	vst.idx.msk $0xffff, v42;
	v50 =	vadd.s32 $0xFFFFFFF8, v48;
	v49 =	vor.u32 v43, v63  }
0xeb: {  	v51 =	vbroadcast v50, $0x0;
	[tilespmem:v41+s18+$0x0] =	vst.idx.msk $0xffff, v49  }
0xec: {  	[hbm4b:s9+s23] =	stream.linear.scatter [tilespmem:s19], [sflag:$0x2], $0x5000, $0x38;
	[tilespmem:$0xB400] =	vst v63  }
0xed: {  	v39 =	vadd.s32 v14, v51;
	_ =	swait.ge [sflag:s20], $0x5000  }
0xee: {  	s31 =	simm.s32 $0x1;
	vm0 =	vlt.s32 v39, $0x4FF;
	[sflag:s20] =	ssyncset.done $0x0  }
0xef: {  	v59 =	vmov s31;
	v39 =	vnsel vm0, $0x4FF, v39;
	[sflag:s20] =	ssyncadd.s32 $0xFFFFB000  }
0xf0: {  	v60 =	vadd.s32 $0xFFFFFFF8, v59;
	v52 =	vshll.u32 v39, $0x2;
	v39 =	vadd.s32 v32, v39;
	v40 =	vld [tilespmem:s1+$0x40]  }
0xf1: {  	v61 =	vbroadcast v60, $0x0;
	v53 =	vsub.s32 v52, v13;
	v41 =	vsub.s32 v52, v12  }
0xf2: {  	v54 =	vsub.s32 $0x0, v53;
	v55 =	vadd.s32 v31, v41;
	v56 =	vadd.s32 v34, v41  }
0xf3: {  	v41 =	vadd.s32 v36, v41;
	v42 =	vmin.u32 v53, v54;
	v57 =	vsub.s32 $0x0, v55  }
0xf4: {  	v58 =	vsub.s32 $0x0, v56;
	v62 =	vsub.s32 $0x0, v41;
	v43 =	vmin.u32 v55, v57  }
0xf5: {  	v45 =	vmin.u32 v56, v58;
	v44 =	vmin.u32 v41, v62;
	vm1 =	vgt.s32 v43, v40  }
0xf6: {  	v41 =	vadd.s32 v14, v61;
	vm0 =	vle.s32 v42, v40;
	v43 =	vsel vm1, $0x0, v33  }
0xf7: {  	v63 =	vsel vm0, $0x1, v30;
	vm0 =	vgt.s32 v45, v40;
	vm1 =	vlt.s32 v41, $0x4FF  }
0xf8: {  	s23 =	simm.s32 $0x2;
	v42 =	vor.u32 v63, v43;
	v43 =	vsel vm0, $0x0, v35;
	vm0 =	vgt.s32 v44, v40  }
.LBB2_12:
0xf9: {  	p0 =	sne.s32 s23, $0x21;
	v41 =	vnsel vm1, $0x4FF, v41;
	v42 =	vor.u32 v43, v42;
	v43 =	vsel vm0, $0x0, v37;
	s24 =	smov.u32 s23;
	s23 =	sadd.s32 $0x1, s23  }
0xfa: {  	v44 =	vshll.u32 v41, $0x2;
	v41 =	vadd.s32 v32, v41;
	v42 =	vor.u32 v43, v42  }
0xfb: {  	v43 =	vsub.s32 v44, v13;
	v44 =	vsub.s32 v44, v12;
	[tilespmem:v39+s18+$0x0] =	vst.idx.msk $0xffff, v42;
	v39 =	vmov v41  }
0xfc: {  	v41 =	vsub.s32 $0x0, v43;
	v42 =	vadd.s32 v31, v44;
	v45 =	vadd.s32 v34, v44  }
0xfd: {  	v41 =	vmin.u32 v43, v41;
	v43 =	vsub.s32 $0x0, v42;
	v46 =	vsub.s32 $0x0, v45  }
0xfe: {  	v47 =	vmov s24;
	v42 =	vmin.u32 v42, v43;
	v43 =	vadd.s32 v36, v44  }
.Ltmp5:
0xff: {  	v44 =	vadd.s32 $0xFFFFFFF8, v47;
	vm0 =	vle.s32 v41, v40;
	vm1 =	vgt.s32 v42, v40;
	(pc) =	sbr.rel @p0 .LBB2_12-.Ltmp5, $4  }
0x100: {  	v41 =	vbroadcast v44, $0x0;
	v44 =	vsub.s32 $0x0, v43;
	v42 =	vsel vm1, $0x0, v33  }
0x101: {  	v45 =	vmin.u32 v45, v46;
	v47 =	vsel vm0, $0x1, v30;
	v44 =	vmin.u32 v43, v44  }
0x102: {  	vm0 =	vgt.s32 v45, v40;
	v41 =	vadd.s32 v14, v41;
	v42 =	vor.u32 v47, v42  }
0x103: {  	v43 =	vsel vm0, $0x0, v35;
	vm0 =	vgt.s32 v44, v40;
	vm1 =	vlt.s32 v41, $0x4FF  }
0x104: {  	v41 =	vnsel vm1, $0x4FF, v41  }
0x105: {  	v42 =	vor.u32 v43, v42;
	v44 =	vsel vm0, $0x0, v37;
	v55 =	vshll.u32 v41, $0x2  }
0x106: {  	v42 =	vor.u32 v44, v42;
	v45 =	vsub.s32 v55, v13  }
0x107: {  	v41 =	vadd.s32 v32, v41;
	v43 =	vsub.s32 v55, v12;
	v56 =	vsub.s32 $0x0, v45  }
0x108: {  	v46 =	vadd.s32 v31, v43;
	v47 =	vadd.s32 v34, v43;
	v43 =	vadd.s32 v36, v43  }
0x109: {  	v44 =	vmin.u32 v45, v56;
	v57 =	vsub.s32 $0x0, v46;
	v58 =	vsub.s32 $0x0, v47  }
0x10a: {  	v61 =	vsub.s32 $0x0, v43;
	v45 =	vmin.u32 v46, v57;
	vm0 =	vle.s32 v44, v40  }
0x10b: {  	v60 =	vmin.u32 v47, v58;
	v43 =	vmin.u32 v43, v61;
	vm1 =	vgt.s32 v45, v40  }
0x10c: {  	v62 =	vsel vm0, $0x1, v30;
	vm0 =	vgt.s32 v60, v40;
	v59 =	vsel vm1, $0x0, v33  }
0x10d: {  	s23 =	simm.s32 $0x0;
	v45 =	vsel vm0, $0x0, v35;
	vm0 =	vgt.s32 v43, v40;
	v44 =	vor.u32 v62, v59  }
0x10e: {  	v48 =	vmov s23;
	v43 =	vsel vm0, $0x0, v37;
	v63 =	vor.u32 v45, v44  }
0x10f: {  	[tilespmem:v39+s18+$0x0] =	vst.idx.msk $0xffff, v42;
	v50 =	vadd.s32 $0xFFFFFFF8, v48;
	v49 =	vor.u32 v43, v63  }
0x110: {  	v51 =	vbroadcast v50, $0x0;
	[tilespmem:v41+s18+$0x0] =	vst.idx.msk $0xffff, v49  }
0x111: {  	[hbm4b:s10+s23] =	stream.linear.scatter [tilespmem:s18], [sflag:$0x1], $0x5000, $0x38;
	[tilespmem:$0xB400] =	vst v63  }
0x112: {  	v39 =	vadd.s32 v17, v51;
	_ =	swait.ge [sflag:s21], $0x5000  }
0x113: {  	s31 =	simm.s32 $0x1;
	vm0 =	vlt.s32 v39, $0x4FF;
	[sflag:s21] =	ssyncset.done $0x0  }
0x114: {  	v59 =	vmov s31;
	v39 =	vnsel vm0, $0x4FF, v39;
	[sflag:s21] =	ssyncadd.s32 $0xFFFFB000  }
0x115: {  	v60 =	vadd.s32 $0xFFFFFFF8, v59;
	v52 =	vshll.u32 v39, $0x2;
	v39 =	vadd.s32 v38, v39;
	v40 =	vld [tilespmem:s1+$0x50]  }
0x116: {  	v61 =	vbroadcast v60, $0x0;
	v53 =	vsub.s32 v52, v16;
	v41 =	vsub.s32 v52, v15  }
0x117: {  	v54 =	vsub.s32 $0x0, v53;
	v55 =	vadd.s32 v31, v41;
	v56 =	vadd.s32 v34, v41  }
0x118: {  	v41 =	vadd.s32 v36, v41;
	v42 =	vmin.u32 v53, v54;
	v57 =	vsub.s32 $0x0, v55  }
0x119: {  	v58 =	vsub.s32 $0x0, v56;
	v62 =	vsub.s32 $0x0, v41;
	v43 =	vmin.u32 v55, v57  }
0x11a: {  	v45 =	vmin.u32 v56, v58;
	v44 =	vmin.u32 v41, v62;
	vm1 =	vgt.s32 v43, v40  }
0x11b: {  	v41 =	vadd.s32 v17, v61;
	vm0 =	vle.s32 v42, v40;
	v43 =	vsel vm1, $0x0, v33  }
0x11c: {  	v63 =	vsel vm0, $0x1, v30;
	vm0 =	vgt.s32 v45, v40;
	vm1 =	vlt.s32 v41, $0x4FF  }
0x11d: {  	s23 =	simm.s32 $0x2;
	v42 =	vor.u32 v63, v43;
	v43 =	vsel vm0, $0x0, v35;
	vm0 =	vgt.s32 v44, v40  }
.LBB2_14:
0x11e: {  	p0 =	sne.s32 s23, $0x21;
	v41 =	vnsel vm1, $0x4FF, v41;
	v42 =	vor.u32 v43, v42;
	v43 =	vsel vm0, $0x0, v37;
	s24 =	smov.u32 s23;
	s23 =	sadd.s32 $0x1, s23  }
0x11f: {  	v44 =	vshll.u32 v41, $0x2;
	v41 =	vadd.s32 v38, v41;
	v42 =	vor.u32 v43, v42  }
0x120: {  	v43 =	vsub.s32 v44, v16;
	v44 =	vsub.s32 v44, v15;
	[tilespmem:v39+s18+$0x0] =	vst.idx.msk $0xffff, v42;
	v39 =	vmov v41  }
0x121: {  	v41 =	vsub.s32 $0x0, v43;
	v42 =	vadd.s32 v31, v44;
	v45 =	vadd.s32 v34, v44  }
0x122: {  	v41 =	vmin.u32 v43, v41;
	v43 =	vsub.s32 $0x0, v42;
	v46 =	vsub.s32 $0x0, v45  }
0x123: {  	v47 =	vmov s24;
	v42 =	vmin.u32 v42, v43;
	v43 =	vadd.s32 v36, v44  }
.Ltmp6:
0x124: {  	v44 =	vadd.s32 $0xFFFFFFF8, v47;
	vm0 =	vle.s32 v41, v40;
	vm1 =	vgt.s32 v42, v40;
	(pc) =	sbr.rel @p0 .LBB2_14-.Ltmp6, $4  }
0x125: {  	v41 =	vbroadcast v44, $0x0;
	v44 =	vsub.s32 $0x0, v43;
	v42 =	vsel vm1, $0x0, v33  }
0x126: {  	v45 =	vmin.u32 v45, v46;
	v47 =	vsel vm0, $0x1, v30;
	v44 =	vmin.u32 v43, v44  }
0x127: {  	vm0 =	vgt.s32 v45, v40;
	v41 =	vadd.s32 v17, v41;
	v42 =	vor.u32 v47, v42  }
0x128: {  	v43 =	vsel vm0, $0x0, v35;
	vm0 =	vgt.s32 v44, v40;
	vm1 =	vlt.s32 v41, $0x4FF  }
0x129: {  	v41 =	vnsel vm1, $0x4FF, v41  }
0x12a: {  	v42 =	vor.u32 v43, v42;
	v44 =	vsel vm0, $0x0, v37;
	v55 =	vshll.u32 v41, $0x2  }
0x12b: {  	v42 =	vor.u32 v44, v42;
	v45 =	vsub.s32 v55, v16  }
0x12c: {  	v41 =	vadd.s32 v38, v41;
	v43 =	vsub.s32 v55, v15;
	v56 =	vsub.s32 $0x0, v45  }
0x12d: {  	v46 =	vadd.s32 v31, v43;
	v47 =	vadd.s32 v34, v43;
	v43 =	vadd.s32 v36, v43  }
0x12e: {  	v44 =	vmin.u32 v45, v56;
	v57 =	vsub.s32 $0x0, v46;
	v58 =	vsub.s32 $0x0, v47  }
0x12f: {  	v61 =	vsub.s32 $0x0, v43;
	v45 =	vmin.u32 v46, v57;
	vm0 =	vle.s32 v44, v40  }
0x130: {  	v60 =	vmin.u32 v47, v58;
	v43 =	vmin.u32 v43, v61;
	vm1 =	vgt.s32 v45, v40  }
0x131: {  	v62 =	vsel vm0, $0x1, v30;
	vm0 =	vgt.s32 v60, v40;
	v59 =	vsel vm1, $0x0, v33  }
0x132: {  	s23 =	simm.s32 $0x0;
	v45 =	vsel vm0, $0x0, v35;
	vm0 =	vgt.s32 v43, v40;
	v44 =	vor.u32 v62, v59  }
0x133: {  	v48 =	vmov s23;
	v43 =	vsel vm0, $0x0, v37;
	v63 =	vor.u32 v45, v44  }
0x134: {  	[tilespmem:v39+s18+$0x0] =	vst.idx.msk $0xffff, v42;
	v50 =	vadd.s32 $0xFFFFFFF8, v48;
	v49 =	vor.u32 v43, v63  }
0x135: {  	v51 =	vbroadcast v50, $0x0;
	[tilespmem:v41+s18+$0x0] =	vst.idx.msk $0xffff, v49  }
0x136: {  	[hbm4b:s11+s23] =	stream.linear.scatter [tilespmem:s19], [sflag:$0x2], $0x5000, $0x38;
	[tilespmem:$0xB400] =	vst v63  }
0x137: {  	v39 =	vadd.s32 v20, v51;
	_ =	swait.ge [sflag:s20], $0x5000  }
0x138: {  	s31 =	simm.s32 $0x1;
	vm0 =	vlt.s32 v39, $0x4FF;
	[sflag:s20] =	ssyncset.done $0x0  }
0x139: {  	v59 =	vmov s31;
	v39 =	vnsel vm0, $0x4FF, v39;
	[sflag:s20] =	ssyncadd.s32 $0xFFFFB000  }
0x13a: {  	v60 =	vadd.s32 $0xFFFFFFF8, v59;
	v52 =	vshll.u32 v39, $0x2;
	v39 =	vadd.s32 v32, v39;
	v40 =	vld [tilespmem:s1+$0x60]  }
0x13b: {  	v61 =	vbroadcast v60, $0x0;
	v53 =	vsub.s32 v52, v19;
	v41 =	vsub.s32 v52, v18  }
0x13c: {  	v54 =	vsub.s32 $0x0, v53;
	v55 =	vadd.s32 v31, v41;
	v56 =	vadd.s32 v34, v41  }
0x13d: {  	v41 =	vadd.s32 v36, v41;
	v42 =	vmin.u32 v53, v54;
	v57 =	vsub.s32 $0x0, v55  }
0x13e: {  	v58 =	vsub.s32 $0x0, v56;
	v62 =	vsub.s32 $0x0, v41;
	v43 =	vmin.u32 v55, v57  }
0x13f: {  	v45 =	vmin.u32 v56, v58;
	v44 =	vmin.u32 v41, v62;
	vm1 =	vgt.s32 v43, v40  }
0x140: {  	v41 =	vadd.s32 v20, v61;
	vm0 =	vle.s32 v42, v40;
	v43 =	vsel vm1, $0x0, v33  }
0x141: {  	v63 =	vsel vm0, $0x1, v30;
	vm0 =	vgt.s32 v45, v40;
	vm1 =	vlt.s32 v41, $0x4FF  }
0x142: {  	s23 =	simm.s32 $0x2;
	v42 =	vor.u32 v63, v43;
	v43 =	vsel vm0, $0x0, v35;
	vm0 =	vgt.s32 v44, v40  }
.LBB2_16:
0x143: {  	p0 =	sne.s32 s23, $0x21;
	v41 =	vnsel vm1, $0x4FF, v41;
	v42 =	vor.u32 v43, v42;
	v43 =	vsel vm0, $0x0, v37;
	s24 =	smov.u32 s23;
	s23 =	sadd.s32 $0x1, s23  }
0x144: {  	v44 =	vshll.u32 v41, $0x2;
	v41 =	vadd.s32 v32, v41;
	v42 =	vor.u32 v43, v42  }
0x145: {  	v43 =	vsub.s32 v44, v19;
	v44 =	vsub.s32 v44, v18;
	[tilespmem:v39+s18+$0x0] =	vst.idx.msk $0xffff, v42;
	v39 =	vmov v41  }
0x146: {  	v41 =	vsub.s32 $0x0, v43;
	v42 =	vadd.s32 v31, v44;
	v45 =	vadd.s32 v34, v44  }
0x147: {  	v41 =	vmin.u32 v43, v41;
	v43 =	vsub.s32 $0x0, v42;
	v46 =	vsub.s32 $0x0, v45  }
0x148: {  	v47 =	vmov s24;
	v42 =	vmin.u32 v42, v43;
	v43 =	vadd.s32 v36, v44  }
.Ltmp7:
0x149: {  	v44 =	vadd.s32 $0xFFFFFFF8, v47;
	vm0 =	vle.s32 v41, v40;
	vm1 =	vgt.s32 v42, v40;
	(pc) =	sbr.rel @p0 .LBB2_16-.Ltmp7, $4  }
0x14a: {  	v41 =	vbroadcast v44, $0x0;
	v44 =	vsub.s32 $0x0, v43;
	v42 =	vsel vm1, $0x0, v33  }
0x14b: {  	v45 =	vmin.u32 v45, v46;
	v47 =	vsel vm0, $0x1, v30;
	v44 =	vmin.u32 v43, v44  }
0x14c: {  	vm0 =	vgt.s32 v45, v40;
	v41 =	vadd.s32 v20, v41;
	v42 =	vor.u32 v47, v42  }
0x14d: {  	v43 =	vsel vm0, $0x0, v35;
	vm0 =	vgt.s32 v44, v40;
	vm1 =	vlt.s32 v41, $0x4FF  }
0x14e: {  	v41 =	vnsel vm1, $0x4FF, v41  }
0x14f: {  	v42 =	vor.u32 v43, v42;
	v44 =	vsel vm0, $0x0, v37;
	v55 =	vshll.u32 v41, $0x2  }
0x150: {  	v42 =	vor.u32 v44, v42;
	v45 =	vsub.s32 v55, v19  }
0x151: {  	v41 =	vadd.s32 v32, v41;
	v43 =	vsub.s32 v55, v18;
	v56 =	vsub.s32 $0x0, v45  }
0x152: {  	v46 =	vadd.s32 v31, v43;
	v47 =	vadd.s32 v34, v43;
	v43 =	vadd.s32 v36, v43  }
0x153: {  	v44 =	vmin.u32 v45, v56;
	v57 =	vsub.s32 $0x0, v46;
	v58 =	vsub.s32 $0x0, v47  }
0x154: {  	v61 =	vsub.s32 $0x0, v43;
	v45 =	vmin.u32 v46, v57;
	vm0 =	vle.s32 v44, v40  }
0x155: {  	v60 =	vmin.u32 v47, v58;
	v43 =	vmin.u32 v43, v61;
	vm1 =	vgt.s32 v45, v40  }
0x156: {  	v62 =	vsel vm0, $0x1, v30;
	vm0 =	vgt.s32 v60, v40;
	v59 =	vsel vm1, $0x0, v33  }
0x157: {  	s23 =	simm.s32 $0x0;
	v45 =	vsel vm0, $0x0, v35;
	vm0 =	vgt.s32 v43, v40;
	v44 =	vor.u32 v62, v59  }
0x158: {  	v48 =	vmov s23;
	v43 =	vsel vm0, $0x0, v37;
	v63 =	vor.u32 v45, v44  }
0x159: {  	[tilespmem:v39+s18+$0x0] =	vst.idx.msk $0xffff, v42;
	v50 =	vadd.s32 $0xFFFFFFF8, v48;
	v49 =	vor.u32 v43, v63  }
0x15a: {  	v51 =	vbroadcast v50, $0x0;
	[tilespmem:v41+s18+$0x0] =	vst.idx.msk $0xffff, v49  }
0x15b: {  	[hbm4b:s12+s23] =	stream.linear.scatter [tilespmem:s18], [sflag:$0x1], $0x5000, $0x38;
	[tilespmem:$0xB400] =	vst v63  }
0x15c: {  	v39 =	vadd.s32 v23, v51;
	_ =	swait.ge [sflag:s21], $0x5000  }
0x15d: {  	s31 =	simm.s32 $0x1;
	vm0 =	vlt.s32 v39, $0x4FF;
	[sflag:s21] =	ssyncset.done $0x0  }
0x15e: {  	v59 =	vmov s31;
	v39 =	vnsel vm0, $0x4FF, v39;
	[sflag:s21] =	ssyncadd.s32 $0xFFFFB000  }
0x15f: {  	v60 =	vadd.s32 $0xFFFFFFF8, v59;
	v52 =	vshll.u32 v39, $0x2;
	v39 =	vadd.s32 v38, v39;
	v40 =	vld [tilespmem:s1+$0x70]  }
0x160: {  	v61 =	vbroadcast v60, $0x0;
	v53 =	vsub.s32 v52, v22;
	v41 =	vsub.s32 v52, v21  }
0x161: {  	v54 =	vsub.s32 $0x0, v53;
	v55 =	vadd.s32 v31, v41;
	v56 =	vadd.s32 v34, v41  }
0x162: {  	v41 =	vadd.s32 v36, v41;
	v42 =	vmin.u32 v53, v54;
	v57 =	vsub.s32 $0x0, v55  }
0x163: {  	v58 =	vsub.s32 $0x0, v56;
	v62 =	vsub.s32 $0x0, v41;
	v43 =	vmin.u32 v55, v57  }
0x164: {  	v45 =	vmin.u32 v56, v58;
	v44 =	vmin.u32 v41, v62;
	vm1 =	vgt.s32 v43, v40  }
0x165: {  	v41 =	vadd.s32 v23, v61;
	vm0 =	vle.s32 v42, v40;
	v43 =	vsel vm1, $0x0, v33  }
0x166: {  	v63 =	vsel vm0, $0x1, v30;
	vm0 =	vgt.s32 v45, v40;
	vm1 =	vlt.s32 v41, $0x4FF  }
0x167: {  	s23 =	simm.s32 $0x2;
	v42 =	vor.u32 v63, v43;
	v43 =	vsel vm0, $0x0, v35;
	vm0 =	vgt.s32 v44, v40  }
.LBB2_18:
0x168: {  	p0 =	sne.s32 s23, $0x21;
	v41 =	vnsel vm1, $0x4FF, v41;
	v42 =	vor.u32 v43, v42;
	v43 =	vsel vm0, $0x0, v37;
	s24 =	smov.u32 s23;
	s23 =	sadd.s32 $0x1, s23  }
0x169: {  	v44 =	vshll.u32 v41, $0x2;
	v41 =	vadd.s32 v38, v41;
	v42 =	vor.u32 v43, v42  }
0x16a: {  	v43 =	vsub.s32 v44, v22;
	v44 =	vsub.s32 v44, v21;
	[tilespmem:v39+s18+$0x0] =	vst.idx.msk $0xffff, v42;
	v39 =	vmov v41  }
0x16b: {  	v41 =	vsub.s32 $0x0, v43;
	v42 =	vadd.s32 v31, v44;
	v45 =	vadd.s32 v34, v44  }
0x16c: {  	v41 =	vmin.u32 v43, v41;
	v43 =	vsub.s32 $0x0, v42;
	v46 =	vsub.s32 $0x0, v45  }
0x16d: {  	v47 =	vmov s24;
	v42 =	vmin.u32 v42, v43;
	v43 =	vadd.s32 v36, v44  }
.Ltmp8:
0x16e: {  	v44 =	vadd.s32 $0xFFFFFFF8, v47;
	vm0 =	vle.s32 v41, v40;
	vm1 =	vgt.s32 v42, v40;
	(pc) =	sbr.rel @p0 .LBB2_18-.Ltmp8, $4  }
0x16f: {  	v41 =	vbroadcast v44, $0x0;
	v44 =	vsub.s32 $0x0, v43;
	v42 =	vsel vm1, $0x0, v33  }
0x170: {  	v45 =	vmin.u32 v45, v46;
	v47 =	vsel vm0, $0x1, v30;
	v44 =	vmin.u32 v43, v44  }
0x171: {  	vm0 =	vgt.s32 v45, v40;
	v41 =	vadd.s32 v23, v41;
	v42 =	vor.u32 v47, v42  }
0x172: {  	v43 =	vsel vm0, $0x0, v35;
	vm0 =	vgt.s32 v44, v40;
	vm1 =	vlt.s32 v41, $0x4FF  }
0x173: {  	v41 =	vnsel vm1, $0x4FF, v41  }
0x174: {  	v42 =	vor.u32 v43, v42;
	v44 =	vsel vm0, $0x0, v37;
	v55 =	vshll.u32 v41, $0x2  }
0x175: {  	v42 =	vor.u32 v44, v42;
	v45 =	vsub.s32 v55, v22  }
0x176: {  	v41 =	vadd.s32 v38, v41;
	v43 =	vsub.s32 v55, v21;
	v56 =	vsub.s32 $0x0, v45  }
0x177: {  	v46 =	vadd.s32 v31, v43;
	v47 =	vadd.s32 v34, v43;
	v43 =	vadd.s32 v36, v43  }
0x178: {  	v44 =	vmin.u32 v45, v56;
	v57 =	vsub.s32 $0x0, v46;
	v58 =	vsub.s32 $0x0, v47  }
0x179: {  	v61 =	vsub.s32 $0x0, v43;
	v45 =	vmin.u32 v46, v57;
	vm0 =	vle.s32 v44, v40  }
0x17a: {  	v60 =	vmin.u32 v47, v58;
	v43 =	vmin.u32 v43, v61;
	vm1 =	vgt.s32 v45, v40  }
0x17b: {  	v62 =	vsel vm0, $0x1, v30;
	vm0 =	vgt.s32 v60, v40;
	v59 =	vsel vm1, $0x0, v33  }
0x17c: {  	s23 =	simm.s32 $0x0;
	v45 =	vsel vm0, $0x0, v35;
	vm0 =	vgt.s32 v43, v40;
	v44 =	vor.u32 v62, v59  }
0x17d: {  	v48 =	vmov s23;
	v43 =	vsel vm0, $0x0, v37;
	v63 =	vor.u32 v45, v44  }
0x17e: {  	[tilespmem:v39+s18+$0x0] =	vst.idx.msk $0xffff, v42;
	v50 =	vadd.s32 $0xFFFFFFF8, v48;
	v49 =	vor.u32 v43, v63  }
0x17f: {  	v51 =	vbroadcast v50, $0x0;
	[tilespmem:v41+s18+$0x0] =	vst.idx.msk $0xffff, v49  }
0x180: {  	[hbm4b:s13+s23] =	stream.linear.scatter [tilespmem:s19], [sflag:$0x2], $0x5000, $0x38;
	[tilespmem:$0xB400] =	vst v63  }
0x181: {  	v39 =	vadd.s32 v26, v51;
	_ =	swait.ge [sflag:s20], $0x5000  }
0x182: {  	s31 =	simm.s32 $0x1;
	vm0 =	vlt.s32 v39, $0x4FF;
	[sflag:s20] =	ssyncset.done $0x0  }
0x183: {  	v59 =	vmov s31;
	v39 =	vnsel vm0, $0x4FF, v39;
	[sflag:s20] =	ssyncadd.s32 $0xFFFFB000  }
0x184: {  	v60 =	vadd.s32 $0xFFFFFFF8, v59;
	v52 =	vshll.u32 v39, $0x2;
	v39 =	vadd.s32 v32, v39;
	v40 =	vld [tilespmem:s1+$0x80]  }
0x185: {  	v61 =	vbroadcast v60, $0x0;
	v53 =	vsub.s32 v52, v25;
	v41 =	vsub.s32 v52, v24  }
0x186: {  	v54 =	vsub.s32 $0x0, v53;
	v55 =	vadd.s32 v31, v41;
	v56 =	vadd.s32 v34, v41  }
0x187: {  	v41 =	vadd.s32 v36, v41;
	v42 =	vmin.u32 v53, v54;
	v57 =	vsub.s32 $0x0, v55  }
0x188: {  	v58 =	vsub.s32 $0x0, v56;
	v62 =	vsub.s32 $0x0, v41;
	v43 =	vmin.u32 v55, v57  }
0x189: {  	v45 =	vmin.u32 v56, v58;
	v44 =	vmin.u32 v41, v62;
	vm1 =	vgt.s32 v43, v40  }
0x18a: {  	v41 =	vadd.s32 v26, v61;
	vm0 =	vle.s32 v42, v40;
	v43 =	vsel vm1, $0x0, v33  }
0x18b: {  	v63 =	vsel vm0, $0x1, v30;
	vm0 =	vgt.s32 v45, v40;
	vm1 =	vlt.s32 v41, $0x4FF  }
0x18c: {  	s23 =	simm.s32 $0x2;
	v42 =	vor.u32 v63, v43;
	v43 =	vsel vm0, $0x0, v35;
	vm0 =	vgt.s32 v44, v40  }
.LBB2_20:
0x18d: {  	p0 =	sne.s32 s23, $0x21;
	v41 =	vnsel vm1, $0x4FF, v41;
	v42 =	vor.u32 v43, v42;
	v43 =	vsel vm0, $0x0, v37;
	s24 =	smov.u32 s23;
	s23 =	sadd.s32 $0x1, s23  }
0x18e: {  	v44 =	vshll.u32 v41, $0x2;
	v41 =	vadd.s32 v32, v41;
	v42 =	vor.u32 v43, v42  }
0x18f: {  	v43 =	vsub.s32 v44, v25;
	v44 =	vsub.s32 v44, v24;
	[tilespmem:v39+s18+$0x0] =	vst.idx.msk $0xffff, v42;
	v39 =	vmov v41  }
0x190: {  	v41 =	vsub.s32 $0x0, v43;
	v42 =	vadd.s32 v31, v44;
	v45 =	vadd.s32 v34, v44  }
0x191: {  	v41 =	vmin.u32 v43, v41;
	v43 =	vsub.s32 $0x0, v42;
	v46 =	vsub.s32 $0x0, v45  }
0x192: {  	v47 =	vmov s24;
	v42 =	vmin.u32 v42, v43;
	v43 =	vadd.s32 v36, v44  }
.Ltmp9:
0x193: {  	v44 =	vadd.s32 $0xFFFFFFF8, v47;
	vm0 =	vle.s32 v41, v40;
	vm1 =	vgt.s32 v42, v40;
	(pc) =	sbr.rel @p0 .LBB2_20-.Ltmp9, $4  }
0x194: {  	v41 =	vbroadcast v44, $0x0;
	v44 =	vsub.s32 $0x0, v43;
	v42 =	vsel vm1, $0x0, v33  }
0x195: {  	v45 =	vmin.u32 v45, v46;
	v47 =	vsel vm0, $0x1, v30;
	v44 =	vmin.u32 v43, v44  }
0x196: {  	vm0 =	vgt.s32 v45, v40;
	v41 =	vadd.s32 v26, v41;
	v42 =	vor.u32 v47, v42  }
0x197: {  	v43 =	vsel vm0, $0x0, v35;
	vm0 =	vgt.s32 v44, v40;
	vm1 =	vlt.s32 v41, $0x4FF  }
0x198: {  	v41 =	vnsel vm1, $0x4FF, v41  }
0x199: {  	v42 =	vor.u32 v43, v42;
	v44 =	vsel vm0, $0x0, v37;
	v55 =	vshll.u32 v41, $0x2  }
0x19a: {  	v42 =	vor.u32 v44, v42;
	v45 =	vsub.s32 v55, v25  }
0x19b: {  	v41 =	vadd.s32 v32, v41;
	v43 =	vsub.s32 v55, v24;
	v56 =	vsub.s32 $0x0, v45  }
0x19c: {  	v46 =	vadd.s32 v31, v43;
	v47 =	vadd.s32 v34, v43;
	v43 =	vadd.s32 v36, v43  }
0x19d: {  	v44 =	vmin.u32 v45, v56;
	v57 =	vsub.s32 $0x0, v46;
	v58 =	vsub.s32 $0x0, v47  }
0x19e: {  	v61 =	vsub.s32 $0x0, v43;
	v45 =	vmin.u32 v46, v57;
	vm0 =	vle.s32 v44, v40  }
0x19f: {  	v60 =	vmin.u32 v47, v58;
	v43 =	vmin.u32 v43, v61;
	vm1 =	vgt.s32 v45, v40  }
0x1a0: {  	v62 =	vsel vm0, $0x1, v30;
	vm0 =	vgt.s32 v60, v40;
	v59 =	vsel vm1, $0x0, v33  }
0x1a1: {  	s23 =	simm.s32 $0x0;
	v45 =	vsel vm0, $0x0, v35;
	vm0 =	vgt.s32 v43, v40;
	v44 =	vor.u32 v62, v59  }
0x1a2: {  	v48 =	vmov s23;
	v43 =	vsel vm0, $0x0, v37;
	v63 =	vor.u32 v45, v44  }
0x1a3: {  	[tilespmem:v39+s18+$0x0] =	vst.idx.msk $0xffff, v42;
	v50 =	vadd.s32 $0xFFFFFFF8, v48;
	v49 =	vor.u32 v43, v63  }
0x1a4: {  	v51 =	vbroadcast v50, $0x0;
	[tilespmem:v41+s18+$0x0] =	vst.idx.msk $0xffff, v49  }
0x1a5: {  	[hbm4b:s14+s23] =	stream.linear.scatter [tilespmem:s18], [sflag:$0x1], $0x5000, $0x38;
	[tilespmem:$0xB400] =	vst v63  }
0x1a6: {  	v39 =	vadd.s32 v29, v51;
	_ =	swait.ge [sflag:s21], $0x5000  }
0x1a7: {  	s31 =	simm.s32 $0x1;
	vm0 =	vlt.s32 v39, $0x4FF;
	[sflag:s21] =	ssyncset.done $0x0  }
0x1a8: {  	v59 =	vmov s31;
	v39 =	vnsel vm0, $0x4FF, v39;
	[sflag:s21] =	ssyncadd.s32 $0xFFFFB000  }
0x1a9: {  	v60 =	vadd.s32 $0xFFFFFFF8, v59;
	v52 =	vshll.u32 v39, $0x2;
	v39 =	vadd.s32 v38, v39;
	v40 =	vld [tilespmem:s1+$0x90]  }
0x1aa: {  	v61 =	vbroadcast v60, $0x0;
	v53 =	vsub.s32 v52, v28;
	v41 =	vsub.s32 v52, v27  }
0x1ab: {  	v54 =	vsub.s32 $0x0, v53;
	v55 =	vadd.s32 v31, v41;
	v56 =	vadd.s32 v34, v41  }
0x1ac: {  	v41 =	vadd.s32 v36, v41;
	v42 =	vmin.u32 v53, v54;
	v57 =	vsub.s32 $0x0, v55  }
0x1ad: {  	v58 =	vsub.s32 $0x0, v56;
	v62 =	vsub.s32 $0x0, v41;
	v43 =	vmin.u32 v55, v57  }
0x1ae: {  	v45 =	vmin.u32 v56, v58;
	v44 =	vmin.u32 v41, v62;
	vm1 =	vgt.s32 v43, v40  }
0x1af: {  	vm0 =	vle.s32 v42, v40;
	v42 =	vadd.s32 v29, v61;
	v43 =	vsel vm1, $0x0, v33  }
0x1b0: {  	v63 =	vsel vm0, $0x1, v30;
	vm0 =	vgt.s32 v45, v40;
	vm1 =	vlt.s32 v42, $0x4FF  }
0x1b1: {  	s23 =	simm.s32 $0x2;
	v41 =	vor.u32 v63, v43;
	v43 =	vsel vm0, $0x0, v35;
	vm0 =	vgt.s32 v44, v40  }
.LBB2_22:
0x1b2: {  	p0 =	sne.s32 s23, $0x21;
	v42 =	vnsel vm1, $0x4FF, v42;
	v41 =	vor.u32 v43, v41;
	v43 =	vsel vm0, $0x0, v37;
	s24 =	smov.u32 s23;
	s23 =	sadd.s32 $0x1, s23  }
0x1b3: {  	v44 =	vshll.u32 v42, $0x2;
	v42 =	vadd.s32 v38, v42;
	v41 =	vor.u32 v43, v41  }
0x1b4: {  	v43 =	vsub.s32 v44, v28;
	v44 =	vsub.s32 v44, v27;
	[tilespmem:v39+s18+$0x0] =	vst.idx.msk $0xffff, v41;
	v39 =	vmov v42  }
0x1b5: {  	v41 =	vsub.s32 $0x0, v43;
	v42 =	vadd.s32 v31, v44;
	v45 =	vadd.s32 v34, v44  }
0x1b6: {  	v41 =	vmin.u32 v43, v41;
	v43 =	vsub.s32 $0x0, v42;
	v46 =	vsub.s32 $0x0, v45  }
0x1b7: {  	v47 =	vmov s24;
	v42 =	vmin.u32 v42, v43;
	v43 =	vadd.s32 v36, v44  }
.Ltmp10:
0x1b8: {  	v44 =	vadd.s32 $0xFFFFFFF8, v47;
	vm0 =	vle.s32 v41, v40;
	vm1 =	vgt.s32 v42, v40;
	(pc) =	sbr.rel @p0 .LBB2_22-.Ltmp10, $4  }
0x1b9: {  	v41 =	vbroadcast v44, $0x0;
	v42 =	vsub.s32 $0x0, v43;
	v44 =	vsel vm1, $0x0, v33  }
0x1ba: {  	v45 =	vmin.u32 v45, v46;
	v47 =	vsel vm0, $0x1, v30;
	v46 =	vmin.u32 v43, v42  }
0x1bb: {  	vm0 =	vgt.s32 v45, v40;
	v42 =	vadd.s32 v29, v41;
	v41 =	vor.u32 v47, v44  }
0x1bc: {  	v43 =	vsel vm0, $0x0, v35;
	vm0 =	vgt.s32 v46, v40;
	vm1 =	vlt.s32 v42, $0x4FF  }
0x1bd: {  	v42 =	vnsel vm1, $0x4FF, v42  }
0x1be: {  	v44 =	vshll.u32 v42, $0x2  }
0x1bf: {  	v41 =	vor.u32 v43, v41;
	v59 =	vsel vm0, $0x0, v37;
	v45 =	vsub.s32 v44, v27  }
0x1c0: {  	v42 =	vadd.s32 v38, v42;
	v44 =	vsub.s32 v44, v28;
	v51 =	vadd.s32 v31, v45  }
0x1c1: {  	v47 =	vsub.s32 $0x0, v44;
	v52 =	vadd.s32 v34, v45;
	v54 =	vadd.s32 v36, v45  }
0x1c2: {  	v46 =	vsub.s32 $0x0, v51;
	v44 =	vmin.u32 v44, v47;
	v53 =	vsub.s32 $0x0, v52  }
0x1c3: {  	v57 =	vsub.s32 $0x0, v54;
	v43 =	vmin.u32 v51, v46;
	vm13 =	vle.s32 v44, v40  }
0x1c4: {  	v56 =	vmin.u32 v52, v53;
	vm12 =	vgt.s32 v43, v40;
	v58 =	vsel vm13, $0x1, v30  }
0x1c5: {  	v43 =	vmin.u32 v54, v57;
	vm14 =	vgt.s32 v56, v40;
	v55 =	vsel vm12, $0x0, v33  }
0x1c6: {  	v60 =	vsel vm14, $0x0, v35;
	vm15 =	vgt.s32 v43, v40;
	v45 =	vor.u32 v58, v55  }
0x1c7: {  	v61 =	vor.u32 v59, v41;
	v43 =	vsel vm15, $0x0, v37;
	v62 =	vor.u32 v60, v45  }
0x1c8: {  	[tilespmem:v39+s18+$0x0] =	vst.idx.msk $0xffff, v61;
	v63 =	vor.u32 v43, v62  }
0x1c9: {  	s22 =	sadd.s32 $0x1, s22;
	[tilespmem:v42+s18+$0x0] =	vst.idx.msk $0xffff, v63  }
0x1ca: {  	[hbm4b:s15+s5] =	stream.linear.scatter [tilespmem:s19], [sflag:$0x2], $0x5000, $0x38;
	[tilespmem:$0xB400] =	vst v63  }
0x1cb: {  	p0 =	sne.s32 s22, s16;
	_ =	swait.ge [sflag:s20], $0x5000  }
.Ltmp11:
0x1cc: {  	[sflag:s20] =	ssyncset.done $0x0;
	(pc) =	sbr.rel @p0 .LBB2_1-.Ltmp11, $4  }
0x1cd: {  	[sflag:s20] =	ssyncadd.s32 $0xFFFFB000  }
0x1ce: {  	_ =	swait.ge [sflag:s21], $0x5000  }
0x1cf: {  	[sflag:s21] =	ssyncset.done $0x0  }
0x1d0: {  	[sflag:s21] =	ssyncadd.s32 $0xFFFFB000  }
0x1d1: {  	_ =	sfence.sel $0x180000  }
0x1d2: {  	[bflag:$0x0] =	sbarrier.arrive $0xFFFF  }
0x1d3: {  	p0 =	sne.s32 s0, $0x0;
	_ =	strace $0x90000047  }
0x1d4: {  	s0 =	sadd.s32 @!p0 $0x100000, s4;
	[bflag:$0x2] =	sbarrier.arrive $0xFFFF  }
0x1d5: {  	[sflag:s0] =	ssyncadd.tile.s32 @!p0 $0x1;
	_ =	shalt  }
.Lfunc_end2:
_tile_overlayer_lowered:
.L_overlay_start_2:
0x1d6: {  	(tag) =	ssettag $0x2  }
0x1d7: {  	s0 =	rddreg [dreg:$0x0];
	s2 =	stileid.u32  }
0x1d8: {  	s1 =	rddreg [dreg:$0x1];
	p0 =	sne.s32 s2, $0x0  }
0x1d9: {  	s3 =	rddreg [dreg:$0x2];
	[bflag:$0x3] =	sbarrier.arrive $0xFFFF;
	s2 =	simm.s32 @!p0 $0x1C03  }
0x1da: {  	[timem:s3], [sflag:s2] =	dma.local @!p0 [hbm:s0], s1  }
0x1db: {  	s0 =	simm.s32 @!p0 $0x3  }
0x1dc: {  	_ =	swait.ge @!p0 [sflag:s0], s1  }
0x1dd: {  	s1 =	ssub.s32 @!p0 $0x0, s1;
	[sflag:s0] =	ssyncset.done @!p0 $0x0  }
0x1de: {  	[sflag:s0] =	ssyncadd.s32 @!p0 s1  }
0x1df: {  	[bflag:$0x3] =	sbarrier.arrive $0xFFFF  }
0x1e0: {  	_ =	shalt  }

</sc_bundles>
